<compile_context>
chip_gen: v7x
topology: tpu7x:2x2x1
jax: 0.10.2.dev20260603
libtpu: 0.0.44.dev20260713+nightly
codegen_flags: <defaults>
</compile_context>

<pallas_src>
import functools

import jax
import jax.numpy as jnp
from jax import lax
from jax.experimental import pallas as pl
from jax.experimental.pallas import tpu as pltpu
from jax.experimental.pallas import tpu_sc as plsc

NC = 2
NS = 16
NW = NC * NS
B = 128
F = 8
NBUF = 4
L = 16
HEAVY = 1
K0 = 52
K1 = 32


def _sc_mesh():
    return plsc.VectorSubcoreMesh(core_axis_name="c", subcore_axis_name="s")


def _chunk_range(cid, sid):
    start = jnp.where(cid == HEAVY, sid * K0, NS * K0 + sid * K1)
    myk = jnp.where(cid == HEAVY, K0, K1)
    return start, myk


def _load_chunks(ep_hbm, row, start, cid, idx_v):
    pltpu.sync_copy(ep_hbm.at[row, pl.ds(start, K1)], idx_v.at[pl.ds(0, K1)])

    @pl.when(cid == HEAVY)
    def _():
        pltpu.sync_copy(ep_hbm.at[row, pl.ds(start + K1, K0 - K1)],
                        idx_v.at[pl.ds(K1, K0 - K1)])


def _make_deg_kernel(npad):
    stripe = npad // NS

    @functools.partial(
        pl.kernel,
        mesh=_sc_mesh(),
        out_type=jax.ShapeDtypeStruct((NC, npad), jnp.float32),
        compiler_params=pltpu.CompilerParams(use_tc_tiling_on_sc=False),
        scratch_types=[
            pltpu.VMEM((K0, B), jnp.int32),
            pltpu.VMEM((B,), jnp.float32),
            pltpu.VMEM_SHARED((npad,), jnp.float32),
            pltpu.SemaphoreType.DMA,
        ],
    )
    def deg_kernel(ep_hbm, zeros_hbm, out_hbm, idx_v, ones_v, acc_sh, sem):
        cid = lax.axis_index("c")
        sid = lax.axis_index("s")
        start, myk = _chunk_range(cid, sid)
        pltpu.sync_copy(zeros_hbm.at[pl.ds(sid * stripe, stripe)],
                        acc_sh.at[pl.ds(sid * stripe, stripe)])
        for i in range(B // L):
            ones_v[pl.ds(i * L, L)] = jnp.ones((L,), jnp.float32)
        _load_chunks(ep_hbm, 1, start, cid, idx_v)
        plsc.subcore_barrier()

        def body(j, carry):
            pltpu.async_copy(ones_v, acc_sh.at[idx_v.at[j]], sem, add=True)
            return carry

        lax.fori_loop(0, myk, body, 0)

        def drain(j, carry):
            pltpu.make_async_copy(ones_v, acc_sh.at[idx_v.at[j]], sem).wait()
            return carry

        lax.fori_loop(0, myk, drain, 0)
        plsc.subcore_barrier()
        pltpu.sync_copy(acc_sh.at[pl.ds(sid * stripe, stripe)],
                        out_hbm.at[cid, pl.ds(sid * stripe, stripe)])

    return deg_kernel


def _make_msg_kernel(npad):
    stripe = npad // NS

    @functools.partial(
        pl.kernel,
        mesh=_sc_mesh(),
        out_type=jax.ShapeDtypeStruct((NC, npad, F), jnp.float32),
        compiler_params=pltpu.CompilerParams(use_tc_tiling_on_sc=False),
        scratch_types=[
            pltpu.VMEM((K0, B), jnp.int32),
            pltpu.VMEM((K0, B), jnp.int32),
            pltpu.VMEM((NBUF, B, F), jnp.float32),
            pltpu.VMEM_SHARED((npad, F), jnp.float32),
            [pltpu.SemaphoreType.DMA] * NBUF,
        ],
    )
    def msg_kernel(hd_hbm, ep_hbm, zeros_hbm, out_hbm,
                   src_v, dst_v, rows_v, acc_sh, sems):
        cid = lax.axis_index("c")
        sid = lax.axis_index("s")
        start, myk = _chunk_range(cid, sid)
        pltpu.sync_copy(zeros_hbm.at[pl.ds(sid * stripe, stripe)],
                        acc_sh.at[pl.ds(sid * stripe, stripe)])
        _load_chunks(ep_hbm, 0, start, cid, src_v)
        _load_chunks(ep_hbm, 1, start, cid, dst_v)
        plsc.subcore_barrier()

        for b in range(NBUF):
            pltpu.async_copy(hd_hbm.at[src_v.at[b]], rows_v.at[b], sems[b])

        def body(g, carry):
            for b in range(NBUF):
                j = g * NBUF + b
                pltpu.make_async_copy(hd_hbm.at[src_v.at[j]],
                                      rows_v.at[b], sems[b]).wait()
                pltpu.sync_copy(rows_v.at[b], acc_sh.at[dst_v.at[j]],
                                add=True)
                jn = j + NBUF

                @pl.when(jn < myk)
                def _():
                    pltpu.async_copy(hd_hbm.at[src_v.at[jn]],
                                     rows_v.at[b], sems[b])
            return carry

        lax.fori_loop(0, myk // NBUF, body, 0)
        plsc.subcore_barrier()
        pltpu.sync_copy(acc_sh.at[pl.ds(sid * stripe, stripe)],
                        out_hbm.at[cid, pl.ds(sid * stripe, stripe)])

    return msg_kernel


def _mmscale_body(x_ref, w_ref, degp_ref, o_ref):
    h = jnp.dot(x_ref[...].astype(jnp.bfloat16),
                w_ref[...].astype(jnp.bfloat16),
                preferred_element_type=jnp.float32)
    deg = degp_ref[0, :] + degp_ref[1, :]
    o_ref[...] = h * lax.rsqrt(deg)[:, None]


def _mmscale(x, W1, degp, npad):
    n, D = x.shape
    bm = 1024
    return pl.pallas_call(
        _mmscale_body,
        grid=(npad // bm,),
        in_specs=[pl.BlockSpec((bm, D), lambda i: (i, 0)),
                  pl.BlockSpec((D, F), lambda i: (0, 0)),
                  pl.BlockSpec((NC, bm), lambda i: (0, i))],
        out_specs=pl.BlockSpec((bm, F), lambda i: (i, 0)),
        out_shape=jax.ShapeDtypeStruct((npad, F), jnp.float32),
    )(x, W1, degp)


def _elu(z):
    return jnp.where(z > 0, z, jnp.exp(jnp.minimum(z, 0.0)) - 1.0)


def _headp_body(accp_ref, deg16_ref, e16_ref, b1_ref, w2_ref, b2_ref,
                w3_ref, b3_ref, w4_ref, b4_ref, pswap_ref, o_ref):
    deg = deg16_ref[0] + deg16_ref[1]
    dvr = jnp.dot(lax.rsqrt(deg), e16_ref[...],
                  preferred_element_type=jnp.float32)
    z = dvr * (accp_ref[0] + accp_ref[1]) + b1_ref[...]
    z = _elu(z)
    z = _elu(jnp.dot(z, w2_ref[...], preferred_element_type=jnp.float32)
             + b2_ref[...])
    z = _elu(jnp.dot(z, w3_ref[...], preferred_element_type=jnp.float32)
             + b3_ref[...])
    z = jnp.dot(z, w4_ref[...], preferred_element_type=jnp.float32) \
        + b4_ref[...]
    sw = jnp.dot(z, pswap_ref[...], preferred_element_type=jnp.float32)
    m = jnp.maximum(z, sw)
    o_ref[...] = z - (m + jnp.log(jnp.exp(z - m) + jnp.exp(sw - m)))


def _headp(accp_p, deg16, E16, b1t, W2k, b2t, W3k, b3t, W4k, b4t, Pswap,
           nout):
    bm = 64
    full = lambda shape: pl.BlockSpec(shape, lambda i: tuple(0 for _ in shape))
    return pl.pallas_call(
        _headp_body,
        grid=(pl.cdiv(nout, bm),),
        in_specs=[pl.BlockSpec((NC, bm, 128), lambda i: (0, i, 0)),
                  pl.BlockSpec((NC, bm, L), lambda i: (0, i, 0)),
                  full(E16.shape), full(b1t.shape), full(W2k.shape),
                  full(b2t.shape), full(W3k.shape), full(b3t.shape),
                  full(W4k.shape), full(b4t.shape), full(Pswap.shape)],
        out_specs=pl.BlockSpec((bm, 32), lambda i: (i, 0)),
        out_shape=jax.ShapeDtypeStruct((nout, 32), jnp.float32),
    )(accp_p, deg16, E16, b1t, W2k, b2t, W3k, b3t, W4k, b4t, Pswap)


def kernel(x, edge_index, W1, b1, W2, b2, W3, b3, W4, b4):
    N, D = x.shape
    E = edge_index.shape[1]
    npad = ((N + 1023) // 1024) * 1024
    trash = N + 8

    loop = jnp.broadcast_to(jnp.arange(npad, dtype=jnp.int32), (2, npad))
    epf = jnp.concatenate([edge_index, loop], axis=1)
    nchunks = epf.shape[1] // B
    total = NS * (K0 + K1)
    ep = epf.reshape(2, nchunks, B)
    ep = jnp.pad(ep, ((0, 0), (0, total - nchunks), (0, 0)),
                 constant_values=trash)

    zeros1 = jnp.zeros((npad,), jnp.float32)
    zeros2 = jnp.zeros((npad, F), jnp.float32)

    degp = _make_deg_kernel(npad)(ep, zeros1)
    hd = _mmscale(x, W1, degp, npad)
    accp = _make_msg_kernel(npad)(hd, ep, zeros2)

    nrows = npad * F // 128
    I16 = jnp.eye(16, dtype=jnp.float32)
    W2k = jnp.kron(I16, W2)
    W3k = jnp.kron(I16, W3)
    W4k = jnp.kron(I16, W4)
    Pswap = jnp.kron(I16, jnp.array([[0.0, 1.0], [1.0, 0.0]], jnp.float32))
    E16 = jnp.kron(I16, jnp.ones((1, F), jnp.float32))
    b1t = jnp.tile(b1, 16).reshape(1, 128)
    b2t = jnp.tile(b2, 16).reshape(1, 256)
    b3t = jnp.tile(b3, 16).reshape(1, 128)
    b4t = jnp.tile(b4, 16).reshape(1, 32)

    out = _headp(accp.reshape(NC, nrows, 128),
                 degp.reshape(NC, npad // L, L),
                 E16, b1t, W2k, b2t, W3k, b3t, W4k, b4t, Pswap,
                 N * 2 // 32)
    return out.reshape(N, 2)

# --- scband reference (transcript-rebuilt; emitter-appended) ---
"""Pipeline reference for scband-trust-gcn-18330920419682 (READ-ONLY COPY).

The authoritative reference and input builder live on the scoring server;
editing this copy changes nothing except your own understanding.
"""

import jax, jax.numpy as jnp
import numpy as np

N = 10000
E = 160000
D = 256


def setup_inputs(seed: int = 0) -> dict:
    key = jax.random.key(seed)
    ks = jax.random.split(key, 10)
    x = jax.random.normal(ks[0], (N, D), dtype=jnp.float32)
    edge_index = jax.random.randint(ks[1], (2, E), 0, N, dtype=jnp.int32)
    # GCNConv(input_dim=256, out=8): lin weight (no bias in lin), bias added after propagation
    W1 = jax.random.normal(ks[2], (D, 8), dtype=jnp.float32) * (1.0 / np.sqrt(D))
    b1 = jnp.zeros((8,), dtype=jnp.float32)
    # fc1: Linear(8, 16)
    W2 = jax.random.normal(ks[3], (8, 16), dtype=jnp.float32) * (1.0 / np.sqrt(8))
    b2 = jax.random.normal(ks[4], (16,), dtype=jnp.float32) * 0.01
    # fc2: Linear(16, 8)
    W3 = jax.random.normal(ks[5], (16, 8), dtype=jnp.float32) * (1.0 / np.sqrt(16))
    b3 = jax.random.normal(ks[6], (8,), dtype=jnp.float32) * 0.01
    # fc3: Linear(8, 2)
    W4 = jax.random.normal(ks[7], (8, 2), dtype=jnp.float32) * (1.0 / np.sqrt(8))
    b4 = jax.random.normal(ks[8], (2,), dtype=jnp.float32) * 0.01
    return {"x": x, "edge_index": edge_index, "W1": W1, "b1": b1, "W2": W2, "b2": b2, "W3": W3, "b3": b3, "W4": W4, "b4": b4}


def _gcn_conv(x, edge_index, W, b):
    # Faithful GCNConv: add self-loops, symmetric normalization D^-1/2 (A+I) D^-1/2 X W + b
    n = x.shape[0]
    src = edge_index[0]
    dst = edge_index[1]
    loop = jnp.arange(n, dtype=src.dtype)
    src_f = jnp.concatenate([src, loop])
    dst_f = jnp.concatenate([dst, loop])
    deg = jnp.zeros((n,), dtype=x.dtype).at[dst_f].add(1.0)
    dinv = jnp.where(deg > 0, jax.lax.rsqrt(deg), 0.0)
    norm = dinv[src_f] * dinv[dst_f]
    h = x @ W
    msg = h[src_f] * norm[:, None]
    agg = jnp.zeros((n, h.shape[1]), dtype=x.dtype).at[dst_f].add(msg)
    return agg + b


def reference(x, edge_index, W1, b1, W2, b2, W3, b3, W4, b4):
    h = jax.nn.elu(_gcn_conv(x, edge_index, W1, b1))
    h = jax.nn.elu(h @ W2 + b2)
    h = jax.nn.elu(h @ W3 + b3)
    h = h @ W4 + b4
    return jax.nn.log_softmax(h, axis=1)

if __name__ == "__main__":
    import jax
    _d = setup_inputs()
    print(jax.jit(kernel)(*tuple(_d.values())))

</pallas_src>

<mosaic_0001>
#map = affine_map<(d0, d1) -> (0, 0, 0)>
#map1 = affine_map<(d0, d1) -> (0)>
#map2 = affine_map<(d0, d1) -> (0, 0)>
module attributes {stable_mosaic.version = 14 : i64} {
  func.func @deg_kernel(%arg0: i32, %arg1: i32, %arg2: memref<2x1344x128xi32, #tpu.memory_space<hbm>>, %arg3: memref<10240xf32, #tpu.memory_space<hbm>>, %arg4: memref<2x10240xf32, #tpu.memory_space<hbm>>, %arg5: memref<52x128xi32, #tpu.memory_space<vmem>>, %arg6: memref<128xf32, #tpu.memory_space<vmem>>, %arg7: memref<10240xf32, #tpu.memory_space<vmem_shared>>, %arg8: memref<!tpu.dma_semaphore, #tpu.memory_space<semaphore_mem>>) attributes {dimension_semantics = [#tpu.dimension_semantics<core_parallel>, #tpu.dimension_semantics<subcore_parallel>], iteration_bounds = array<i64: 2, 16>, scalar_prefetch = 0 : i64, scratch_operands = 4 : i64, tpu.core_type = #tpu.core_type<sc_vector_subcore>, window_params = [{transform_indices = #map}, {transform_indices = #map1}, {transform_indices = #map2}]} {
    %eq3A = arith.constant 1 : i32
    %eq3A_0 = arith.cmpi eq, %arg0, %eq3A : i32
    %mul3A = arith.constant 52 : i32
    %mul3A_1 = arith.muli %arg1, %mul3A : i32
    %mul3A_2 = arith.constant 32 : i32
    %mul3A_3 = arith.muli %arg1, %mul3A_2 : i32
    %add3A = arith.constant 832 : i32
    %add3A_4 = arith.addi %add3A, %mul3A_3 : i32
    %select_n3A = arith.select %eq3A_0, %mul3A_1, %add3A_4 : i32
    %eq3A_5 = arith.constant 1 : i32
    %eq3A_6 = arith.cmpi eq, %arg0, %eq3A_5 : i32
    %jit3A = arith.constant 52 : i32
    %jit3A_7 = arith.constant 32 : i32
    %select_n3A_8 = arith.select %eq3A_6, %jit3A, %jit3A_7 : i32
    %mul3A_9 = arith.constant 640 : i32
    %mul3A_10 = arith.muli %arg1, %mul3A_9 : i32
    %mul3A_11 = arith.constant 640 : i32
    %mul3A_12 = arith.muli %arg1, %mul3A_11 : i32
    "tpu.region"() ({
      %run_scoped3A_86 = tpu.sem_alloc : memref<!tpu.dma_semaphore, #tpu.memory_space<semaphore_mem>>
      %dma_start3A = tpu.memref_slice %arg7[%mul3A_12] : memref<10240xf32, #tpu.memory_space<vmem_shared>> -> memref<640xf32, #tpu.memory_space<vmem_shared>>
      %dma_start3A_87 = tpu.memref_slice %arg3[%mul3A_10] : memref<10240xf32, #tpu.memory_space<hbm>> -> memref<640xf32, #tpu.memory_space<hbm>>
      tpu.enqueue_dma source(%dma_start3A_87 : memref<640xf32, #tpu.memory_space<hbm>>) target(%dma_start3A : memref<640xf32, #tpu.memory_space<vmem_shared>>) target_semaphore(%run_scoped3A_86 : memref<!tpu.dma_semaphore, #tpu.memory_space<semaphore_mem>>)
      %dma_wait3A = tpu.memref_slice %arg7[%mul3A_12] : memref<10240xf32, #tpu.memory_space<vmem_shared>> -> memref<640xf32, #tpu.memory_space<vmem_shared>>
      %dma_wait3A_88 = tpu.memref_slice %arg3[%mul3A_10] : memref<10240xf32, #tpu.memory_space<hbm>> -> memref<640xf32, #tpu.memory_space<hbm>>
      tpu.wait_dma2 semaphore(%run_scoped3A_86 : memref<!tpu.dma_semaphore, #tpu.memory_space<semaphore_mem>>) src(%dma_wait3A_88 : memref<640xf32, #tpu.memory_space<hbm>>) dst(%dma_wait3A : memref<640xf32, #tpu.memory_space<vmem_shared>>)
      tpu.yield
    }) : () -> ()
    %broadcast_in_dim3A = arith.constant 1.000000e+00 : f32
    %broadcast_in_dim3A_13 = vector.broadcast %broadcast_in_dim3A : f32 to vector<16xf32>
    %swap3A = arith.constant 0 : index
    %swap3A_14 = tpu.vector_load %arg6[%swap3A] {strides = array<i32>} : memref<128xf32, #tpu.memory_space<vmem>>, vector<16xf32>,
    %swap3A_15 = vector.shape_cast %swap3A_14 : vector<16xf32> to vector<16xf32>
    %swap3A_16 = vector.shape_cast %broadcast_in_dim3A_13 : vector<16xf32> to vector<16xf32>
    tpu.vector_store %arg6[%swap3A], %swap3A_16 {strides = array<i32>} : memref<128xf32, #tpu.memory_space<vmem>>, vector<16xf32>,
    %broadcast_in_dim3A_17 = arith.constant 1.000000e+00 : f32
    %broadcast_in_dim3A_18 = vector.broadcast %broadcast_in_dim3A_17 : f32 to vector<16xf32>
    %swap3A_19 = arith.constant 16 : index
    %swap3A_20 = tpu.vector_load %arg6[%swap3A_19] {strides = array<i32>} : memref<128xf32, #tpu.memory_space<vmem>>, vector<16xf32>,
    %swap3A_21 = vector.shape_cast %swap3A_20 : vector<16xf32> to vector<16xf32>
    %swap3A_22 = vector.shape_cast %broadcast_in_dim3A_18 : vector<16xf32> to vector<16xf32>
    tpu.vector_store %arg6[%swap3A_19], %swap3A_22 {strides = array<i32>} : memref<128xf32, #tpu.memory_space<vmem>>, vector<16xf32>,
    %broadcast_in_dim3A_23 = arith.constant 1.000000e+00 : f32
    %broadcast_in_dim3A_24 = vector.broadcast %broadcast_in_dim3A_23 : f32 to vector<16xf32>
    %swap3A_25 = arith.constant 32 : index
    %swap3A_26 = tpu.vector_load %arg6[%swap3A_25] {strides = array<i32>} : memref<128xf32, #tpu.memory_space<vmem>>, vector<16xf32>,
    %swap3A_27 = vector.shape_cast %swap3A_26 : vector<16xf32> to vector<16xf32>
    %swap3A_28 = vector.shape_cast %broadcast_in_dim3A_24 : vector<16xf32> to vector<16xf32>
    tpu.vector_store %arg6[%swap3A_25], %swap3A_28 {strides = array<i32>} : memref<128xf32, #tpu.memory_space<vmem>>, vector<16xf32>,
    %broadcast_in_dim3A_29 = arith.constant 1.000000e+00 : f32
    %broadcast_in_dim3A_30 = vector.broadcast %broadcast_in_dim3A_29 : f32 to vector<16xf32>
    %swap3A_31 = arith.constant 48 : index
    %swap3A_32 = tpu.vector_load %arg6[%swap3A_31] {strides = array<i32>} : memref<128xf32, #tpu.memory_space<vmem>>, vector<16xf32>,
    %swap3A_33 = vector.shape_cast %swap3A_32 : vector<16xf32> to vector<16xf32>
    %swap3A_34 = vector.shape_cast %broadcast_in_dim3A_30 : vector<16xf32> to vector<16xf32>
    tpu.vector_store %arg6[%swap3A_31], %swap3A_34 {strides = array<i32>} : memref<128xf32, #tpu.memory_space<vmem>>, vector<16xf32>,
    %broadcast_in_dim3A_35 = arith.constant 1.000000e+00 : f32
    %broadcast_in_dim3A_36 = vector.broadcast %broadcast_in_dim3A_35 : f32 to vector<16xf32>
    %swap3A_37 = arith.constant 64 : index
    %swap3A_38 = tpu.vector_load %arg6[%swap3A_37] {strides = array<i32>} : memref<128xf32, #tpu.memory_space<vmem>>, vector<16xf32>,
    %swap3A_39 = vector.shape_cast %swap3A_38 : vector<16xf32> to vector<16xf32>
    %swap3A_40 = vector.shape_cast %broadcast_in_dim3A_36 : vector<16xf32> to vector<16xf32>
    tpu.vector_store %arg6[%swap3A_37], %swap3A_40 {strides = array<i32>} : memref<128xf32, #tpu.memory_space<vmem>>, vector<16xf32>,
    %broadcast_in_dim3A_41 = arith.constant 1.000000e+00 : f32
    %broadcast_in_dim3A_42 = vector.broadcast %broadcast_in_dim3A_41 : f32 to vector<16xf32>
    %swap3A_43 = arith.constant 80 : index
    %swap3A_44 = tpu.vector_load %arg6[%swap3A_43] {strides = array<i32>} : memref<128xf32, #tpu.memory_space<vmem>>, vector<16xf32>,
    %swap3A_45 = vector.shape_cast %swap3A_44 : vector<16xf32> to vector<16xf32>
    %swap3A_46 = vector.shape_cast %broadcast_in_dim3A_42 : vector<16xf32> to vector<16xf32>
    tpu.vector_store %arg6[%swap3A_43], %swap3A_46 {strides = array<i32>} : memref<128xf32, #tpu.memory_space<vmem>>, vector<16xf32>,
    %broadcast_in_dim3A_47 = arith.constant 1.000000e+00 : f32
    %broadcast_in_dim3A_48 = vector.broadcast %broadcast_in_dim3A_47 : f32 to vector<16xf32>
    %swap3A_49 = arith.constant 96 : index
    %swap3A_50 = tpu.vector_load %arg6[%swap3A_49] {strides = array<i32>} : memref<128xf32, #tpu.memory_space<vmem>>, vector<16xf32>,
    %swap3A_51 = vector.shape_cast %swap3A_50 : vector<16xf32> to vector<16xf32>
    %swap3A_52 = vector.shape_cast %broadcast_in_dim3A_48 : vector<16xf32> to vector<16xf32>
    tpu.vector_store %arg6[%swap3A_49], %swap3A_52 {strides = array<i32>} : memref<128xf32, #tpu.memory_space<vmem>>, vector<16xf32>,
    %broadcast_in_dim3A_53 = arith.constant 1.000000e+00 : f32
    %broadcast_in_dim3A_54 = vector.broadcast %broadcast_in_dim3A_53 : f32 to vector<16xf32>
    %swap3A_55 = arith.constant 112 : index
    %swap3A_56 = tpu.vector_load %arg6[%swap3A_55] {strides = array<i32>} : memref<128xf32, #tpu.memory_space<vmem>>, vector<16xf32>,
    %swap3A_57 = vector.shape_cast %swap3A_56 : vector<16xf32> to vector<16xf32>
    %swap3A_58 = vector.shape_cast %broadcast_in_dim3A_54 : vector<16xf32> to vector<16xf32>
    tpu.vector_store %arg6[%swap3A_55], %swap3A_58 {strides = array<i32>} : memref<128xf32, #tpu.memory_space<vmem>>, vector<16xf32>,
    %run_scoped3A = arith.constant 1 : i32
    "tpu.region"() ({
      %run_scoped3A_86 = tpu.sem_alloc : memref<!tpu.dma_semaphore, #tpu.memory_space<semaphore_mem>>
      %dma_start3A = arith.constant 0 : i32
      %dma_start3A_87 = arith.constant 0 : i32
      %dma_start3A_88 = tpu.memref_slice %arg5[%dma_start3A, %dma_start3A_87] : memref<52x128xi32, #tpu.memory_space<vmem>> -> memref<32x128xi32, #tpu.memory_space<vmem>>
      %dma_start3A_89 = arith.constant 0 : i32
      %dma_start3A_90 = tpu.memref_slice %arg2[%run_scoped3A, %select_n3A, %dma_start3A_89] : memref<2x1344x128xi32, #tpu.memory_space<hbm>> -> memref<1x32x128xi32, #tpu.memory_space<hbm>>
      %dma_start3A_91 = tpu.memref_squeeze %dma_start3A_90 : memref<1x32x128xi32, #tpu.memory_space<hbm>> -> memref<32x128xi32, #tpu.memory_space<hbm>>
      %dma_start3A_92 = arith.constant 0 : i32
      %dma_start3A_93 = arith.constant 0 : i32
      %dma_start3A_94 = tpu.memref_slice %arg5[%dma_start3A_92, %dma_start3A_93] : memref<52x128xi32, #tpu.memory_space<vmem>> -> memref<32x128xi32, #tpu.memory_space<vmem>>
      %dma_start3A_95 = arith.constant 0 : i32
      %dma_start3A_96 = tpu.memref_slice %arg2[%run_scoped3A, %select_n3A, %dma_start3A_95] : memref<2x1344x128xi32, #tpu.memory_space<hbm>> -> memref<1x32x128xi32, #tpu.memory_space<hbm>>
      %dma_start3A_97 = tpu.memref_squeeze %dma_start3A_96 : memref<1x32x128xi32, #tpu.memory_space<hbm>> -> memref<32x128xi32, #tpu.memory_space<hbm>>
      tpu.enqueue_dma source(%dma_start3A_97 : memref<32x128xi32, #tpu.memory_space<hbm>>) target(%dma_start3A_94 : memref<32x128xi32, #tpu.memory_space<vmem>>) target_semaphore(%run_scoped3A_86 : memref<!tpu.dma_semaphore, #tpu.memory_space<semaphore_mem>>)
      %dma_wait3A = arith.constant 0 : i32
      %dma_wait3A_98 = arith.constant 0 : i32
      %dma_wait3A_99 = tpu.memref_slice %arg5[%dma_wait3A, %dma_wait3A_98] : memref<52x128xi32, #tpu.memory_space<vmem>> -> memref<32x128xi32, #tpu.memory_space<vmem>>
      %dma_wait3A_100 = arith.constant 0 : i32
      %dma_wait3A_101 = tpu.memref_slice %arg2[%run_scoped3A, %select_n3A, %dma_wait3A_100] : memref<2x1344x128xi32, #tpu.memory_space<hbm>> -> memref<1x32x128xi32, #tpu.memory_space<hbm>>
      %dma_wait3A_102 = tpu.memref_squeeze %dma_wait3A_101 : memref<1x32x128xi32, #tpu.memory_space<hbm>> -> memref<32x128xi32, #tpu.memory_space<hbm>>
      %dma_wait3A_103 = arith.constant 0 : i32
      %dma_wait3A_104 = arith.constant 0 : i32
      %dma_wait3A_105 = tpu.memref_slice %arg5[%dma_wait3A_103, %dma_wait3A_104] : memref<52x128xi32, #tpu.memory_space<vmem>> -> memref<32x128xi32, #tpu.memory_space<vmem>>
      %dma_wait3A_106 = arith.constant 0 : i32
      %dma_wait3A_107 = tpu.memref_slice %arg2[%run_scoped3A, %select_n3A, %dma_wait3A_106] : memref<2x1344x128xi32, #tpu.memory_space<hbm>> -> memref<1x32x128xi32, #tpu.memory_space<hbm>>
      %dma_wait3A_108 = tpu.memref_squeeze %dma_wait3A_107 : memref<1x32x128xi32, #tpu.memory_space<hbm>> -> memref<32x128xi32, #tpu.memory_space<hbm>>
      tpu.wait_dma2 semaphore(%run_scoped3A_86 : memref<!tpu.dma_semaphore, #tpu.memory_space<semaphore_mem>>) src(%dma_wait3A_108 : memref<32x128xi32, #tpu.memory_space<hbm>>) dst(%dma_wait3A_105 : memref<32x128xi32, #tpu.memory_space<vmem>>)
      tpu.yield
    }) : () -> ()
    %eq3A_59 = arith.constant 1 : i32
    %eq3A_60 = arith.cmpi eq, %arg0, %eq3A_59 : i32
    %convert_element_type3A = arith.extui %eq3A_60 : i1 to i32
    %cond3A = arith.constant 0 : i32
    %cond3A_61 = arith.cmpi ne, %convert_element_type3A, %cond3A : i32
    scf.if %cond3A_61 {
      %add3A_86 = arith.constant 32 : i32
      %add3A_87 = arith.addi %select_n3A, %add3A_86 : i32
      %run_scoped3A_88 = arith.constant 1 : i32
      "tpu.region"() ({
        %run_scoped3A_89 = tpu.sem_alloc : memref<!tpu.dma_semaphore, #tpu.memory_space<semaphore_mem>>
        %dma_start3A = arith.constant 32 : i32
        %dma_start3A_90 = arith.constant 0 : i32
        %dma_start3A_91 = tpu.memref_slice %arg5[%dma_start3A, %dma_start3A_90] : memref<52x128xi32, #tpu.memory_space<vmem>> -> memref<20x128xi32, #tpu.memory_space<vmem>>
        %dma_start3A_92 = arith.constant 0 : i32
        %dma_start3A_93 = tpu.memref_slice %arg2[%run_scoped3A_88, %add3A_87, %dma_start3A_92] : memref<2x1344x128xi32, #tpu.memory_space<hbm>> -> memref<1x20x128xi32, #tpu.memory_space<hbm>>
        %dma_start3A_94 = tpu.memref_squeeze %dma_start3A_93 : memref<1x20x128xi32, #tpu.memory_space<hbm>> -> memref<20x128xi32, #tpu.memory_space<hbm>>
        %dma_start3A_95 = arith.constant 32 : i32
        %dma_start3A_96 = arith.constant 0 : i32
        %dma_start3A_97 = tpu.memref_slice %arg5[%dma_start3A_95, %dma_start3A_96] : memref<52x128xi32, #tpu.memory_space<vmem>> -> memref<20x128xi32, #tpu.memory_space<vmem>>
        %dma_start3A_98 = arith.constant 0 : i32
        %dma_start3A_99 = tpu.memref_slice %arg2[%run_scoped3A_88, %add3A_87, %dma_start3A_98] : memref<2x1344x128xi32, #tpu.memory_space<hbm>> -> memref<1x20x128xi32, #tpu.memory_space<hbm>>
        %dma_start3A_100 = tpu.memref_squeeze %dma_start3A_99 : memref<1x20x128xi32, #tpu.memory_space<hbm>> -> memref<20x128xi32, #tpu.memory_space<hbm>>
        tpu.enqueue_dma source(%dma_start3A_100 : memref<20x128xi32, #tpu.memory_space<hbm>>) target(%dma_start3A_97 : memref<20x128xi32, #tpu.memory_space<vmem>>) target_semaphore(%run_scoped3A_89 : memref<!tpu.dma_semaphore, #tpu.memory_space<semaphore_mem>>)
        %dma_wait3A = arith.constant 32 : i32
        %dma_wait3A_101 = arith.constant 0 : i32
        %dma_wait3A_102 = tpu.memref_slice %arg5[%dma_wait3A, %dma_wait3A_101] : memref<52x128xi32, #tpu.memory_space<vmem>> -> memref<20x128xi32, #tpu.memory_space<vmem>>
        %dma_wait3A_103 = arith.constant 0 : i32
        %dma_wait3A_104 = tpu.memref_slice %arg2[%run_scoped3A_88, %add3A_87, %dma_wait3A_103] : memref<2x1344x128xi32, #tpu.memory_space<hbm>> -> memref<1x20x128xi32, #tpu.memory_space<hbm>>
        %dma_wait3A_105 = tpu.memref_squeeze %dma_wait3A_104 : memref<1x20x128xi32, #tpu.memory_space<hbm>> -> memref<20x128xi32, #tpu.memory_space<hbm>>
        %dma_wait3A_106 = arith.constant 32 : i32
        %dma_wait3A_107 = arith.constant 0 : i32
        %dma_wait3A_108 = tpu.memref_slice %arg5[%dma_wait3A_106, %dma_wait3A_107] : memref<52x128xi32, #tpu.memory_space<vmem>> -> memref<20x128xi32, #tpu.memory_space<vmem>>
        %dma_wait3A_109 = arith.constant 0 : i32
        %dma_wait3A_110 = tpu.memref_slice %arg2[%run_scoped3A_88, %add3A_87, %dma_wait3A_109] : memref<2x1344x128xi32, #tpu.memory_space<hbm>> -> memref<1x20x128xi32, #tpu.memory_space<hbm>>
        %dma_wait3A_111 = tpu.memref_squeeze %dma_wait3A_110 : memref<1x20x128xi32, #tpu.memory_space<hbm>> -> memref<20x128xi32, #tpu.memory_space<hbm>>
        tpu.wait_dma2 semaphore(%run_scoped3A_89 : memref<!tpu.dma_semaphore, #tpu.memory_space<semaphore_mem>>) src(%dma_wait3A_111 : memref<20x128xi32, #tpu.memory_space<hbm>>) dst(%dma_wait3A_108 : memref<20x128xi32, #tpu.memory_space<vmem>>)
        tpu.yield
      }) : () -> ()
    } else {
    }
    %barrier3A = arith.constant 0 : index
    tpu.barrier barrier_id(%barrier3A)
    %while3A = arith.constant 0 : i32
    %while3A_62 = arith.constant 0 : i32
    %while3A_63 = arith.subi %select_n3A_8, %while3A_62 : i32
    %while3A_64 = arith.addi %while3A_62, %while3A_63 : i32
    %while3A_65 = arith.constant 1 : i32
    %while3A_66 = arith.divsi %while3A_63, %while3A_65 : i32
    %while3A_67 = arith.muli %while3A_66, %while3A_65 : i32
    %while3A_68 = arith.addi %while3A_62, %while3A_67 : i32
    %while3A_69 = arith.constant 1 : i32
    scf.for %while3A_86 = %while3A_62 to %while3A_68 step %while3A_69  : i32 {
      %dma_start3A = arith.constant 0 : i32
      %dma_start3A_87 = tpu.memref_slice %arg5[%while3A_86, %dma_start3A] : memref<52x128xi32, #tpu.memory_space<vmem>> -> memref<1x128xi32, #tpu.memory_space<vmem>>
      %dma_start3A_88 = tpu.memref_squeeze %dma_start3A_87 : memref<1x128xi32, #tpu.memory_space<vmem>> -> memref<128xi32, #tpu.memory_space<vmem>>
      %dma_start3A_89 = arith.constant 0 : i32
      %dma_start3A_90 = tpu.memref_slice %arg7[%dma_start3A_89] : memref<10240xf32, #tpu.memory_space<vmem_shared>> -> memref<10240xf32, #tpu.memory_space<vmem_shared>>
      tpu.enqueue_indirect_dma source(%arg6 : memref<128xf32, #tpu.memory_space<vmem>>) target(%dma_start3A_90 : memref<10240xf32, #tpu.memory_space<vmem_shared>>) offsets(%dma_start3A_88 : memref<128xi32, #tpu.memory_space<vmem>>) semaphore(%arg8 : memref<!tpu.dma_semaphore, #tpu.memory_space<semaphore_mem>>) {add = true}
    }
    %while3A_70 = arith.constant 1 : i32
    scf.for %while3A_86 = %while3A_68 to %while3A_64 step %while3A_70  : i32 {
      %dma_start3A = arith.constant 0 : i32
      %dma_start3A_87 = tpu.memref_slice %arg5[%while3A_86, %dma_start3A] : memref<52x128xi32, #tpu.memory_space<vmem>> -> memref<1x128xi32, #tpu.memory_space<vmem>>
      %dma_start3A_88 = tpu.memref_squeeze %dma_start3A_87 : memref<1x128xi32, #tpu.memory_space<vmem>> -> memref<128xi32, #tpu.memory_space<vmem>>
      %dma_start3A_89 = arith.constant 0 : i32
      %dma_start3A_90 = tpu.memref_slice %arg7[%dma_start3A_89] : memref<10240xf32, #tpu.memory_space<vmem_shared>> -> memref<10240xf32, #tpu.memory_space<vmem_shared>>
      tpu.enqueue_indirect_dma source(%arg6 : memref<128xf32, #tpu.memory_space<vmem>>) target(%dma_start3A_90 : memref<10240xf32, #tpu.memory_space<vmem_shared>>) offsets(%dma_start3A_88 : memref<128xi32, #tpu.memory_space<vmem>>) semaphore(%arg8 : memref<!tpu.dma_semaphore, #tpu.memory_space<semaphore_mem>>) {add = true}
    }
    %while3A_71 = arith.constant 0 : i32
    %while3A_72 = arith.constant 0 : i32
    %while3A_73 = arith.subi %select_n3A_8, %while3A_72 : i32
    %while3A_74 = arith.addi %while3A_72, %while3A_73 : i32
    %while3A_75 = arith.constant 1 : i32
    %while3A_76 = arith.divsi %while3A_73, %while3A_75 : i32
    %while3A_77 = arith.muli %while3A_76, %while3A_75 : i32
    %while3A_78 = arith.addi %while3A_72, %while3A_77 : i32
    %while3A_79 = arith.constant 1 : i32
    scf.for %while3A_86 = %while3A_72 to %while3A_78 step %while3A_79  : i32 {
      %dma_wait3A = arith.constant 0 : i32
      %dma_wait3A_87 = tpu.memref_slice %arg5[%while3A_86, %dma_wait3A] : memref<52x128xi32, #tpu.memory_space<vmem>> -> memref<1x128xi32, #tpu.memory_space<vmem>>
      %dma_wait3A_88 = tpu.memref_squeeze %dma_wait3A_87 : memref<1x128xi32, #tpu.memory_space<vmem>> -> memref<128xi32, #tpu.memory_space<vmem>>
      %dma_wait3A_89 = arith.constant 0 : i32
      %dma_wait3A_90 = tpu.memref_slice %arg7[%dma_wait3A_89] : memref<10240xf32, #tpu.memory_space<vmem_shared>> -> memref<10240xf32, #tpu.memory_space<vmem_shared>>
      tpu.wait_indirect_dma semaphore(%arg8 : memref<!tpu.dma_semaphore, #tpu.memory_space<semaphore_mem>>) src(%arg6 : memref<128xf32, #tpu.memory_space<vmem>>) dst(%dma_wait3A_90 : memref<10240xf32, #tpu.memory_space<vmem_shared>>)
    }
    %while3A_80 = arith.constant 1 : i32
    scf.for %while3A_86 = %while3A_78 to %while3A_74 step %while3A_80  : i32 {
      %dma_wait3A = arith.constant 0 : i32
      %dma_wait3A_87 = tpu.memref_slice %arg5[%while3A_86, %dma_wait3A] : memref<52x128xi32, #tpu.memory_space<vmem>> -> memref<1x128xi32, #tpu.memory_space<vmem>>
      %dma_wait3A_88 = tpu.memref_squeeze %dma_wait3A_87 : memref<1x128xi32, #tpu.memory_space<vmem>> -> memref<128xi32, #tpu.memory_space<vmem>>
      %dma_wait3A_89 = arith.constant 0 : i32
      %dma_wait3A_90 = tpu.memref_slice %arg7[%dma_wait3A_89] : memref<10240xf32, #tpu.memory_space<vmem_shared>> -> memref<10240xf32, #tpu.memory_space<vmem_shared>>
      tpu.wait_indirect_dma semaphore(%arg8 : memref<!tpu.dma_semaphore, #tpu.memory_space<semaphore_mem>>) src(%arg6 : memref<128xf32, #tpu.memory_space<vmem>>) dst(%dma_wait3A_90 : memref<10240xf32, #tpu.memory_space<vmem_shared>>)
    }
    %barrier3A_81 = arith.constant 0 : index
    tpu.barrier barrier_id(%barrier3A_81)
    %mul3A_82 = arith.constant 640 : i32
    %mul3A_83 = arith.muli %arg1, %mul3A_82 : i32
    %mul3A_84 = arith.constant 640 : i32
    %mul3A_85 = arith.muli %arg1, %mul3A_84 : i32
    "tpu.region"() ({
      %run_scoped3A_86 = tpu.sem_alloc : memref<!tpu.dma_semaphore, #tpu.memory_space<semaphore_mem>>
      %dma_start3A = tpu.memref_slice %arg4[%arg0, %mul3A_85] : memref<2x10240xf32, #tpu.memory_space<hbm>> -> memref<1x640xf32, #tpu.memory_space<hbm>>
      %dma_start3A_87 = tpu.memref_squeeze %dma_start3A : memref<1x640xf32, #tpu.memory_space<hbm>> -> memref<640xf32, #tpu.memory_space<hbm>>
      %dma_start3A_88 = tpu.memref_slice %arg7[%mul3A_83] : memref<10240xf32, #tpu.memory_space<vmem_shared>> -> memref<640xf32, #tpu.memory_space<vmem_shared>>
      tpu.enqueue_dma source(%dma_start3A_88 : memref<640xf32, #tpu.memory_space<vmem_shared>>) target(%dma_start3A_87 : memref<640xf32, #tpu.memory_space<hbm>>) target_semaphore(%run_scoped3A_86 : memref<!tpu.dma_semaphore, #tpu.memory_space<semaphore_mem>>)
      %dma_wait3A = tpu.memref_slice %arg4[%arg0, %mul3A_85] : memref<2x10240xf32, #tpu.memory_space<hbm>> -> memref<1x640xf32, #tpu.memory_space<hbm>>
      %dma_wait3A_89 = tpu.memref_squeeze %dma_wait3A : memref<1x640xf32, #tpu.memory_space<hbm>> -> memref<640xf32, #tpu.memory_space<hbm>>
      %dma_wait3A_90 = tpu.memref_slice %arg7[%mul3A_83] : memref<10240xf32, #tpu.memory_space<vmem_shared>> -> memref<640xf32, #tpu.memory_space<vmem_shared>>
      tpu.wait_dma2 semaphore(%run_scoped3A_86 : memref<!tpu.dma_semaphore, #tpu.memory_space<semaphore_mem>>) src(%dma_wait3A_90 : memref<640xf32, #tpu.memory_space<vmem_shared>>) dst(%dma_wait3A_89 : memref<640xf32, #tpu.memory_space<hbm>>)
      tpu.yield
    }) : () -> ()
    return
  }
}

#map = affine_map<(d0, d1) -> (0, 0)>
#map1 = affine_map<(d0, d1) -> (0, 0, 0)>
module attributes {stable_mosaic.version = 14 : i64} {
  func.func @msg_kernel(%arg0: i32, %arg1: i32, %arg2: memref<10240x8xf32, #tpu.memory_space<hbm>>, %arg3: memref<2x1344x128xi32, #tpu.memory_space<hbm>>, %arg4: memref<10240x8xf32, #tpu.memory_space<hbm>>, %arg5: memref<2x10240x8xf32, #tpu.memory_space<hbm>>, %arg6: memref<52x128xi32, #tpu.memory_space<vmem>>, %arg7: memref<52x128xi32, #tpu.memory_space<vmem>>, %arg8: memref<4x128x8xf32, #tpu.memory_space<vmem>>, %arg9: memref<10240x8xf32, #tpu.memory_space<vmem_shared>>, %arg10: memref<!tpu.dma_semaphore, #tpu.memory_space<semaphore_mem>>, %arg11: memref<!tpu.dma_semaphore, #tpu.memory_space<semaphore_mem>>, %arg12: memref<!tpu.dma_semaphore, #tpu.memory_space<semaphore_mem>>, %arg13: memref<!tpu.dma_semaphore, #tpu.memory_space<semaphore_mem>>) attributes {dimension_semantics = [#tpu.dimension_semantics<core_parallel>, #tpu.dimension_semantics<subcore_parallel>], iteration_bounds = array<i64: 2, 16>, scalar_prefetch = 0 : i64, scratch_operands = 8 : i64, tpu.core_type = #tpu.core_type<sc_vector_subcore>, window_params = [{transform_indices = #map}, {transform_indices = #map1}, {transform_indices = #map}, {transform_indices = #map1}]} {
    %eq3A = arith.constant 1 : i32
    %eq3A_0 = arith.cmpi eq, %arg0, %eq3A : i32
    %mul3A = arith.constant 52 : i32
    %mul3A_1 = arith.muli %arg1, %mul3A : i32
    %mul3A_2 = arith.constant 32 : i32
    %mul3A_3 = arith.muli %arg1, %mul3A_2 : i32
    %add3A = arith.constant 832 : i32
    %add3A_4 = arith.addi %add3A, %mul3A_3 : i32
    %select_n3A = arith.select %eq3A_0, %mul3A_1, %add3A_4 : i32
    %eq3A_5 = arith.constant 1 : i32
    %eq3A_6 = arith.cmpi eq, %arg0, %eq3A_5 : i32
    %jit3A = arith.constant 52 : i32
    %jit3A_7 = arith.constant 32 : i32
    %select_n3A_8 = arith.select %eq3A_6, %jit3A, %jit3A_7 : i32
    %mul3A_9 = arith.constant 640 : i32
    %mul3A_10 = arith.muli %arg1, %mul3A_9 : i32
    %mul3A_11 = arith.constant 640 : i32
    %mul3A_12 = arith.muli %arg1, %mul3A_11 : i32
    "tpu.region"() ({
      %run_scoped3A_101 = tpu.sem_alloc : memref<!tpu.dma_semaphore, #tpu.memory_space<semaphore_mem>>
      %dma_start3A_102 = arith.constant 0 : i32
      %dma_start3A_103 = tpu.memref_slice %arg9[%mul3A_12, %dma_start3A_102] : memref<10240x8xf32, #tpu.memory_space<vmem_shared>> -> memref<640x8xf32, #tpu.memory_space<vmem_shared>>
      %dma_start3A_104 = arith.constant 0 : i32
      %dma_start3A_105 = tpu.memref_slice %arg4[%mul3A_10, %dma_start3A_104] : memref<10240x8xf32, #tpu.memory_space<hbm>> -> memref<640x8xf32, #tpu.memory_space<hbm>>
      tpu.enqueue_dma source(%dma_start3A_105 : memref<640x8xf32, #tpu.memory_space<hbm>>) target(%dma_start3A_103 : memref<640x8xf32, #tpu.memory_space<vmem_shared>>) target_semaphore(%run_scoped3A_101 : memref<!tpu.dma_semaphore, #tpu.memory_space<semaphore_mem>>)
      %dma_wait3A = arith.constant 0 : i32
      %dma_wait3A_106 = tpu.memref_slice %arg9[%mul3A_12, %dma_wait3A] : memref<10240x8xf32, #tpu.memory_space<vmem_shared>> -> memref<640x8xf32, #tpu.memory_space<vmem_shared>>
      %dma_wait3A_107 = arith.constant 0 : i32
      %dma_wait3A_108 = tpu.memref_slice %arg4[%mul3A_10, %dma_wait3A_107] : memref<10240x8xf32, #tpu.memory_space<hbm>> -> memref<640x8xf32, #tpu.memory_space<hbm>>
      tpu.wait_dma2 semaphore(%run_scoped3A_101 : memref<!tpu.dma_semaphore, #tpu.memory_space<semaphore_mem>>) src(%dma_wait3A_108 : memref<640x8xf32, #tpu.memory_space<hbm>>) dst(%dma_wait3A_106 : memref<640x8xf32, #tpu.memory_space<vmem_shared>>)
      tpu.yield
    }) : () -> ()
    %run_scoped3A = arith.constant 0 : i32
    "tpu.region"() ({
      %run_scoped3A_101 = tpu.sem_alloc : memref<!tpu.dma_semaphore, #tpu.memory_space<semaphore_mem>>
      %dma_start3A_102 = arith.constant 0 : i32
      %dma_start3A_103 = arith.constant 0 : i32
      %dma_start3A_104 = tpu.memref_slice %arg6[%dma_start3A_102, %dma_start3A_103] : memref<52x128xi32, #tpu.memory_space<vmem>> -> memref<32x128xi32, #tpu.memory_space<vmem>>
      %dma_start3A_105 = arith.constant 0 : i32
      %dma_start3A_106 = tpu.memref_slice %arg3[%run_scoped3A, %select_n3A, %dma_start3A_105] : memref<2x1344x128xi32, #tpu.memory_space<hbm>> -> memref<1x32x128xi32, #tpu.memory_space<hbm>>
      %dma_start3A_107 = tpu.memref_squeeze %dma_start3A_106 : memref<1x32x128xi32, #tpu.memory_space<hbm>> -> memref<32x128xi32, #tpu.memory_space<hbm>>
      %dma_start3A_108 = arith.constant 0 : i32
      %dma_start3A_109 = arith.constant 0 : i32
      %dma_start3A_110 = tpu.memref_slice %arg6[%dma_start3A_108, %dma_start3A_109] : memref<52x128xi32, #tpu.memory_space<vmem>> -> memref<32x128xi32, #tpu.memory_space<vmem>>
      %dma_start3A_111 = arith.constant 0 : i32
      %dma_start3A_112 = tpu.memref_slice %arg3[%run_scoped3A, %select_n3A, %dma_start3A_111] : memref<2x1344x128xi32, #tpu.memory_space<hbm>> -> memref<1x32x128xi32, #tpu.memory_space<hbm>>
      %dma_start3A_113 = tpu.memref_squeeze %dma_start3A_112 : memref<1x32x128xi32, #tpu.memory_space<hbm>> -> memref<32x128xi32, #tpu.memory_space<hbm>>
      tpu.enqueue_dma source(%dma_start3A_113 : memref<32x128xi32, #tpu.memory_space<hbm>>) target(%dma_start3A_110 : memref<32x128xi32, #tpu.memory_space<vmem>>) target_semaphore(%run_scoped3A_101 : memref<!tpu.dma_semaphore, #tpu.memory_space<semaphore_mem>>)
      %dma_wait3A = arith.constant 0 : i32
      %dma_wait3A_114 = arith.constant 0 : i32
      %dma_wait3A_115 = tpu.memref_slice %arg6[%dma_wait3A, %dma_wait3A_114] : memref<52x128xi32, #tpu.memory_space<vmem>> -> memref<32x128xi32, #tpu.memory_space<vmem>>
      %dma_wait3A_116 = arith.constant 0 : i32
      %dma_wait3A_117 = tpu.memref_slice %arg3[%run_scoped3A, %select_n3A, %dma_wait3A_116] : memref<2x1344x128xi32, #tpu.memory_space<hbm>> -> memref<1x32x128xi32, #tpu.memory_space<hbm>>
      %dma_wait3A_118 = tpu.memref_squeeze %dma_wait3A_117 : memref<1x32x128xi32, #tpu.memory_space<hbm>> -> memref<32x128xi32, #tpu.memory_space<hbm>>
      %dma_wait3A_119 = arith.constant 0 : i32
      %dma_wait3A_120 = arith.constant 0 : i32
      %dma_wait3A_121 = tpu.memref_slice %arg6[%dma_wait3A_119, %dma_wait3A_120] : memref<52x128xi32, #tpu.memory_space<vmem>> -> memref<32x128xi32, #tpu.memory_space<vmem>>
      %dma_wait3A_122 = arith.constant 0 : i32
      %dma_wait3A_123 = tpu.memref_slice %arg3[%run_scoped3A, %select_n3A, %dma_wait3A_122] : memref<2x1344x128xi32, #tpu.memory_space<hbm>> -> memref<1x32x128xi32, #tpu.memory_space<hbm>>
      %dma_wait3A_124 = tpu.memref_squeeze %dma_wait3A_123 : memref<1x32x128xi32, #tpu.memory_space<hbm>> -> memref<32x128xi32, #tpu.memory_space<hbm>>
      tpu.wait_dma2 semaphore(%run_scoped3A_101 : memref<!tpu.dma_semaphore, #tpu.memory_space<semaphore_mem>>) src(%dma_wait3A_124 : memref<32x128xi32, #tpu.memory_space<hbm>>) dst(%dma_wait3A_121 : memref<32x128xi32, #tpu.memory_space<vmem>>)
      tpu.yield
    }) : () -> ()
    %eq3A_13 = arith.constant 1 : i32
    %eq3A_14 = arith.cmpi eq, %arg0, %eq3A_13 : i32
    %convert_element_type3A = arith.extui %eq3A_14 : i1 to i32
    %cond3A = arith.constant 0 : i32
    %cond3A_15 = arith.cmpi ne, %convert_element_type3A, %cond3A : i32
    scf.if %cond3A_15 {
      %add3A_101 = arith.constant 32 : i32
      %add3A_102 = arith.addi %select_n3A, %add3A_101 : i32
      %run_scoped3A_103 = arith.constant 0 : i32
      "tpu.region"() ({
        %run_scoped3A_104 = tpu.sem_alloc : memref<!tpu.dma_semaphore, #tpu.memory_space<semaphore_mem>>
        %dma_start3A_105 = arith.constant 32 : i32
        %dma_start3A_106 = arith.constant 0 : i32
        %dma_start3A_107 = tpu.memref_slice %arg6[%dma_start3A_105, %dma_start3A_106] : memref<52x128xi32, #tpu.memory_space<vmem>> -> memref<20x128xi32, #tpu.memory_space<vmem>>
        %dma_start3A_108 = arith.constant 0 : i32
        %dma_start3A_109 = tpu.memref_slice %arg3[%run_scoped3A_103, %add3A_102, %dma_start3A_108] : memref<2x1344x128xi32, #tpu.memory_space<hbm>> -> memref<1x20x128xi32, #tpu.memory_space<hbm>>
        %dma_start3A_110 = tpu.memref_squeeze %dma_start3A_109 : memref<1x20x128xi32, #tpu.memory_space<hbm>> -> memref<20x128xi32, #tpu.memory_space<hbm>>
        %dma_start3A_111 = arith.constant 32 : i32
        %dma_start3A_112 = arith.constant 0 : i32
        %dma_start3A_113 = tpu.memref_slice %arg6[%dma_start3A_111, %dma_start3A_112] : memref<52x128xi32, #tpu.memory_space<vmem>> -> memref<20x128xi32, #tpu.memory_space<vmem>>
        %dma_start3A_114 = arith.constant 0 : i32
        %dma_start3A_115 = tpu.memref_slice %arg3[%run_scoped3A_103, %add3A_102, %dma_start3A_114] : memref<2x1344x128xi32, #tpu.memory_space<hbm>> -> memref<1x20x128xi32, #tpu.memory_space<hbm>>
        %dma_start3A_116 = tpu.memref_squeeze %dma_start3A_115 : memref<1x20x128xi32, #tpu.memory_space<hbm>> -> memref<20x128xi32, #tpu.memory_space<hbm>>
        tpu.enqueue_dma source(%dma_start3A_116 : memref<20x128xi32, #tpu.memory_space<hbm>>) target(%dma_start3A_113 : memref<20x128xi32, #tpu.memory_space<vmem>>) target_semaphore(%run_scoped3A_104 : memref<!tpu.dma_semaphore, #tpu.memory_space<semaphore_mem>>)
        %dma_wait3A = arith.constant 32 : i32
        %dma_wait3A_117 = arith.constant 0 : i32
        %dma_wait3A_118 = tpu.memref_slice %arg6[%dma_wait3A, %dma_wait3A_117] : memref<52x128xi32, #tpu.memory_space<vmem>> -> memref<20x128xi32, #tpu.memory_space<vmem>>
        %dma_wait3A_119 = arith.constant 0 : i32
        %dma_wait3A_120 = tpu.memref_slice %arg3[%run_scoped3A_103, %add3A_102, %dma_wait3A_119] : memref<2x1344x128xi32, #tpu.memory_space<hbm>> -> memref<1x20x128xi32, #tpu.memory_space<hbm>>
        %dma_wait3A_121 = tpu.memref_squeeze %dma_wait3A_120 : memref<1x20x128xi32, #tpu.memory_space<hbm>> -> memref<20x128xi32, #tpu.memory_space<hbm>>
        %dma_wait3A_122 = arith.constant 32 : i32
        %dma_wait3A_123 = arith.constant 0 : i32
        %dma_wait3A_124 = tpu.memref_slice %arg6[%dma_wait3A_122, %dma_wait3A_123] : memref<52x128xi32, #tpu.memory_space<vmem>> -> memref<20x128xi32, #tpu.memory_space<vmem>>
        %dma_wait3A_125 = arith.constant 0 : i32
        %dma_wait3A_126 = tpu.memref_slice %arg3[%run_scoped3A_103, %add3A_102, %dma_wait3A_125] : memref<2x1344x128xi32, #tpu.memory_space<hbm>> -> memref<1x20x128xi32, #tpu.memory_space<hbm>>
        %dma_wait3A_127 = tpu.memref_squeeze %dma_wait3A_126 : memref<1x20x128xi32, #tpu.memory_space<hbm>> -> memref<20x128xi32, #tpu.memory_space<hbm>>
        tpu.wait_dma2 semaphore(%run_scoped3A_104 : memref<!tpu.dma_semaphore, #tpu.memory_space<semaphore_mem>>) src(%dma_wait3A_127 : memref<20x128xi32, #tpu.memory_space<hbm>>) dst(%dma_wait3A_124 : memref<20x128xi32, #tpu.memory_space<vmem>>)
        tpu.yield
      }) : () -> ()
    } else {
    }
    %run_scoped3A_16 = arith.constant 1 : i32
    "tpu.region"() ({
      %run_scoped3A_101 = tpu.sem_alloc : memref<!tpu.dma_semaphore, #tpu.memory_space<semaphore_mem>>
      %dma_start3A_102 = arith.constant 0 : i32
      %dma_start3A_103 = arith.constant 0 : i32
      %dma_start3A_104 = tpu.memref_slice %arg7[%dma_start3A_102, %dma_start3A_103] : memref<52x128xi32, #tpu.memory_space<vmem>> -> memref<32x128xi32, #tpu.memory_space<vmem>>
      %dma_start3A_105 = arith.constant 0 : i32
      %dma_start3A_106 = tpu.memref_slice %arg3[%run_scoped3A_16, %select_n3A, %dma_start3A_105] : memref<2x1344x128xi32, #tpu.memory_space<hbm>> -> memref<1x32x128xi32, #tpu.memory_space<hbm>>
      %dma_start3A_107 = tpu.memref_squeeze %dma_start3A_106 : memref<1x32x128xi32, #tpu.memory_space<hbm>> -> memref<32x128xi32, #tpu.memory_space<hbm>>
      %dma_start3A_108 = arith.constant 0 : i32
      %dma_start3A_109 = arith.constant 0 : i32
      %dma_start3A_110 = tpu.memref_slice %arg7[%dma_start3A_108, %dma_start3A_109] : memref<52x128xi32, #tpu.memory_space<vmem>> -> memref<32x128xi32, #tpu.memory_space<vmem>>
      %dma_start3A_111 = arith.constant 0 : i32
      %dma_start3A_112 = tpu.memref_slice %arg3[%run_scoped3A_16, %select_n3A, %dma_start3A_111] : memref<2x1344x128xi32, #tpu.memory_space<hbm>> -> memref<1x32x128xi32, #tpu.memory_space<hbm>>
      %dma_start3A_113 = tpu.memref_squeeze %dma_start3A_112 : memref<1x32x128xi32, #tpu.memory_space<hbm>> -> memref<32x128xi32, #tpu.memory_space<hbm>>
      tpu.enqueue_dma source(%dma_start3A_113 : memref<32x128xi32, #tpu.memory_space<hbm>>) target(%dma_start3A_110 : memref<32x128xi32, #tpu.memory_space<vmem>>) target_semaphore(%run_scoped3A_101 : memref<!tpu.dma_semaphore, #tpu.memory_space<semaphore_mem>>)
      %dma_wait3A = arith.constant 0 : i32
      %dma_wait3A_114 = arith.constant 0 : i32
      %dma_wait3A_115 = tpu.memref_slice %arg7[%dma_wait3A, %dma_wait3A_114] : memref<52x128xi32, #tpu.memory_space<vmem>> -> memref<32x128xi32, #tpu.memory_space<vmem>>
      %dma_wait3A_116 = arith.constant 0 : i32
      %dma_wait3A_117 = tpu.memref_slice %arg3[%run_scoped3A_16, %select_n3A, %dma_wait3A_116] : memref<2x1344x128xi32, #tpu.memory_space<hbm>> -> memref<1x32x128xi32, #tpu.memory_space<hbm>>
      %dma_wait3A_118 = tpu.memref_squeeze %dma_wait3A_117 : memref<1x32x128xi32, #tpu.memory_space<hbm>> -> memref<32x128xi32, #tpu.memory_space<hbm>>
      %dma_wait3A_119 = arith.constant 0 : i32
      %dma_wait3A_120 = arith.constant 0 : i32
      %dma_wait3A_121 = tpu.memref_slice %arg7[%dma_wait3A_119, %dma_wait3A_120] : memref<52x128xi32, #tpu.memory_space<vmem>> -> memref<32x128xi32, #tpu.memory_space<vmem>>
      %dma_wait3A_122 = arith.constant 0 : i32
      %dma_wait3A_123 = tpu.memref_slice %arg3[%run_scoped3A_16, %select_n3A, %dma_wait3A_122] : memref<2x1344x128xi32, #tpu.memory_space<hbm>> -> memref<1x32x128xi32, #tpu.memory_space<hbm>>
      %dma_wait3A_124 = tpu.memref_squeeze %dma_wait3A_123 : memref<1x32x128xi32, #tpu.memory_space<hbm>> -> memref<32x128xi32, #tpu.memory_space<hbm>>
      tpu.wait_dma2 semaphore(%run_scoped3A_101 : memref<!tpu.dma_semaphore, #tpu.memory_space<semaphore_mem>>) src(%dma_wait3A_124 : memref<32x128xi32, #tpu.memory_space<hbm>>) dst(%dma_wait3A_121 : memref<32x128xi32, #tpu.memory_space<vmem>>)
      tpu.yield
    }) : () -> ()
    %eq3A_17 = arith.constant 1 : i32
    %eq3A_18 = arith.cmpi eq, %arg0, %eq3A_17 : i32
    %convert_element_type3A_19 = arith.extui %eq3A_18 : i1 to i32
    %cond3A_20 = arith.constant 0 : i32
    %cond3A_21 = arith.cmpi ne, %convert_element_type3A_19, %cond3A_20 : i32
    scf.if %cond3A_21 {
      %add3A_101 = arith.constant 32 : i32
      %add3A_102 = arith.addi %select_n3A, %add3A_101 : i32
      %run_scoped3A_103 = arith.constant 1 : i32
      "tpu.region"() ({
        %run_scoped3A_104 = tpu.sem_alloc : memref<!tpu.dma_semaphore, #tpu.memory_space<semaphore_mem>>
        %dma_start3A_105 = arith.constant 32 : i32
        %dma_start3A_106 = arith.constant 0 : i32
        %dma_start3A_107 = tpu.memref_slice %arg7[%dma_start3A_105, %dma_start3A_106] : memref<52x128xi32, #tpu.memory_space<vmem>> -> memref<20x128xi32, #tpu.memory_space<vmem>>
        %dma_start3A_108 = arith.constant 0 : i32
        %dma_start3A_109 = tpu.memref_slice %arg3[%run_scoped3A_103, %add3A_102, %dma_start3A_108] : memref<2x1344x128xi32, #tpu.memory_space<hbm>> -> memref<1x20x128xi32, #tpu.memory_space<hbm>>
        %dma_start3A_110 = tpu.memref_squeeze %dma_start3A_109 : memref<1x20x128xi32, #tpu.memory_space<hbm>> -> memref<20x128xi32, #tpu.memory_space<hbm>>
        %dma_start3A_111 = arith.constant 32 : i32
        %dma_start3A_112 = arith.constant 0 : i32
        %dma_start3A_113 = tpu.memref_slice %arg7[%dma_start3A_111, %dma_start3A_112] : memref<52x128xi32, #tpu.memory_space<vmem>> -> memref<20x128xi32, #tpu.memory_space<vmem>>
        %dma_start3A_114 = arith.constant 0 : i32
        %dma_start3A_115 = tpu.memref_slice %arg3[%run_scoped3A_103, %add3A_102, %dma_start3A_114] : memref<2x1344x128xi32, #tpu.memory_space<hbm>> -> memref<1x20x128xi32, #tpu.memory_space<hbm>>
        %dma_start3A_116 = tpu.memref_squeeze %dma_start3A_115 : memref<1x20x128xi32, #tpu.memory_space<hbm>> -> memref<20x128xi32, #tpu.memory_space<hbm>>
        tpu.enqueue_dma source(%dma_start3A_116 : memref<20x128xi32, #tpu.memory_space<hbm>>) target(%dma_start3A_113 : memref<20x128xi32, #tpu.memory_space<vmem>>) target_semaphore(%run_scoped3A_104 : memref<!tpu.dma_semaphore, #tpu.memory_space<semaphore_mem>>)
        %dma_wait3A = arith.constant 32 : i32
        %dma_wait3A_117 = arith.constant 0 : i32
        %dma_wait3A_118 = tpu.memref_slice %arg7[%dma_wait3A, %dma_wait3A_117] : memref<52x128xi32, #tpu.memory_space<vmem>> -> memref<20x128xi32, #tpu.memory_space<vmem>>
        %dma_wait3A_119 = arith.constant 0 : i32
        %dma_wait3A_120 = tpu.memref_slice %arg3[%run_scoped3A_103, %add3A_102, %dma_wait3A_119] : memref<2x1344x128xi32, #tpu.memory_space<hbm>> -> memref<1x20x128xi32, #tpu.memory_space<hbm>>
        %dma_wait3A_121 = tpu.memref_squeeze %dma_wait3A_120 : memref<1x20x128xi32, #tpu.memory_space<hbm>> -> memref<20x128xi32, #tpu.memory_space<hbm>>
        %dma_wait3A_122 = arith.constant 32 : i32
        %dma_wait3A_123 = arith.constant 0 : i32
        %dma_wait3A_124 = tpu.memref_slice %arg7[%dma_wait3A_122, %dma_wait3A_123] : memref<52x128xi32, #tpu.memory_space<vmem>> -> memref<20x128xi32, #tpu.memory_space<vmem>>
        %dma_wait3A_125 = arith.constant 0 : i32
        %dma_wait3A_126 = tpu.memref_slice %arg3[%run_scoped3A_103, %add3A_102, %dma_wait3A_125] : memref<2x1344x128xi32, #tpu.memory_space<hbm>> -> memref<1x20x128xi32, #tpu.memory_space<hbm>>
        %dma_wait3A_127 = tpu.memref_squeeze %dma_wait3A_126 : memref<1x20x128xi32, #tpu.memory_space<hbm>> -> memref<20x128xi32, #tpu.memory_space<hbm>>
        tpu.wait_dma2 semaphore(%run_scoped3A_104 : memref<!tpu.dma_semaphore, #tpu.memory_space<semaphore_mem>>) src(%dma_wait3A_127 : memref<20x128xi32, #tpu.memory_space<hbm>>) dst(%dma_wait3A_124 : memref<20x128xi32, #tpu.memory_space<vmem>>)
        tpu.yield
      }) : () -> ()
    } else {
    }
    %barrier3A = arith.constant 0 : index
    tpu.barrier barrier_id(%barrier3A)
    %dma_start3A = arith.constant 0 : i32
    %dma_start3A_22 = arith.constant 0 : i32
    %dma_start3A_23 = arith.constant 0 : i32
    %dma_start3A_24 = arith.constant 0 : i32
    %dma_start3A_25 = tpu.memref_slice %arg8[%dma_start3A_22, %dma_start3A_23, %dma_start3A_24] : memref<4x128x8xf32, #tpu.memory_space<vmem>> -> memref<1x128x8xf32, #tpu.memory_space<vmem>>
    %dma_start3A_26 = tpu.memref_squeeze %dma_start3A_25 : memref<1x128x8xf32, #tpu.memory_space<vmem>> -> memref<128x8xf32, #tpu.memory_space<vmem>>
    %dma_start3A_27 = arith.constant 0 : i32
    %dma_start3A_28 = tpu.memref_slice %arg6[%dma_start3A, %dma_start3A_27] : memref<52x128xi32, #tpu.memory_space<vmem>> -> memref<1x128xi32, #tpu.memory_space<vmem>>
    %dma_start3A_29 = tpu.memref_squeeze %dma_start3A_28 : memref<1x128xi32, #tpu.memory_space<vmem>> -> memref<128xi32, #tpu.memory_space<vmem>>
    %dma_start3A_30 = arith.constant 0 : i32
    %dma_start3A_31 = arith.constant 0 : i32
    %dma_start3A_32 = tpu.memref_slice %arg2[%dma_start3A_30, %dma_start3A_31] : memref<10240x8xf32, #tpu.memory_space<hbm>> -> memref<10240x8xf32, #tpu.memory_space<hbm>>
    tpu.enqueue_indirect_dma source(%dma_start3A_32 : memref<10240x8xf32, #tpu.memory_space<hbm>>) target(%dma_start3A_26 : memref<128x8xf32, #tpu.memory_space<vmem>>) offsets(%dma_start3A_29 : memref<128xi32, #tpu.memory_space<vmem>>) semaphore(%arg10 : memref<!tpu.dma_semaphore, #tpu.memory_space<semaphore_mem>>)
    %dma_start3A_33 = arith.constant 1 : i32
    %dma_start3A_34 = arith.constant 1 : i32
    %dma_start3A_35 = arith.constant 0 : i32
    %dma_start3A_36 = arith.constant 0 : i32
    %dma_start3A_37 = tpu.memref_slice %arg8[%dma_start3A_34, %dma_start3A_35, %dma_start3A_36] : memref<4x128x8xf32, #tpu.memory_space<vmem>> -> memref<1x128x8xf32, #tpu.memory_space<vmem>>
    %dma_start3A_38 = tpu.memref_squeeze %dma_start3A_37 : memref<1x128x8xf32, #tpu.memory_space<vmem>> -> memref<128x8xf32, #tpu.memory_space<vmem>>
    %dma_start3A_39 = arith.constant 0 : i32
    %dma_start3A_40 = tpu.memref_slice %arg6[%dma_start3A_33, %dma_start3A_39] : memref<52x128xi32, #tpu.memory_space<vmem>> -> memref<1x128xi32, #tpu.memory_space<vmem>>
    %dma_start3A_41 = tpu.memref_squeeze %dma_start3A_40 : memref<1x128xi32, #tpu.memory_space<vmem>> -> memref<128xi32, #tpu.memory_space<vmem>>
    %dma_start3A_42 = arith.constant 0 : i32
    %dma_start3A_43 = arith.constant 0 : i32
    %dma_start3A_44 = tpu.memref_slice %arg2[%dma_start3A_42, %dma_start3A_43] : memref<10240x8xf32, #tpu.memory_space<hbm>> -> memref<10240x8xf32, #tpu.memory_space<hbm>>
    tpu.enqueue_indirect_dma source(%dma_start3A_44 : memref<10240x8xf32, #tpu.memory_space<hbm>>) target(%dma_start3A_38 : memref<128x8xf32, #tpu.memory_space<vmem>>) offsets(%dma_start3A_41 : memref<128xi32, #tpu.memory_space<vmem>>) semaphore(%arg11 : memref<!tpu.dma_semaphore, #tpu.memory_space<semaphore_mem>>)
    %dma_start3A_45 = arith.constant 2 : i32
    %dma_start3A_46 = arith.constant 2 : i32
    %dma_start3A_47 = arith.constant 0 : i32
    %dma_start3A_48 = arith.constant 0 : i32
    %dma_start3A_49 = tpu.memref_slice %arg8[%dma_start3A_46, %dma_start3A_47, %dma_start3A_48] : memref<4x128x8xf32, #tpu.memory_space<vmem>> -> memref<1x128x8xf32, #tpu.memory_space<vmem>>
    %dma_start3A_50 = tpu.memref_squeeze %dma_start3A_49 : memref<1x128x8xf32, #tpu.memory_space<vmem>> -> memref<128x8xf32, #tpu.memory_space<vmem>>
    %dma_start3A_51 = arith.constant 0 : i32
    %dma_start3A_52 = tpu.memref_slice %arg6[%dma_start3A_45, %dma_start3A_51] : memref<52x128xi32, #tpu.memory_space<vmem>> -> memref<1x128xi32, #tpu.memory_space<vmem>>
    %dma_start3A_53 = tpu.memref_squeeze %dma_start3A_52 : memref<1x128xi32, #tpu.memory_space<vmem>> -> memref<128xi32, #tpu.memory_space<vmem>>
    %dma_start3A_54 = arith.constant 0 : i32
    %dma_start3A_55 = arith.constant 0 : i32
    %dma_start3A_56 = tpu.memref_slice %arg2[%dma_start3A_54, %dma_start3A_55] : memref<10240x8xf32, #tpu.memory_space<hbm>> -> memref<10240x8xf32, #tpu.memory_space<hbm>>
    tpu.enqueue_indirect_dma source(%dma_start3A_56 : memref<10240x8xf32, #tpu.memory_space<hbm>>) target(%dma_start3A_50 : memref<128x8xf32, #tpu.memory_space<vmem>>) offsets(%dma_start3A_53 : memref<128xi32, #tpu.memory_space<vmem>>) semaphore(%arg12 : memref<!tpu.dma_semaphore, #tpu.memory_space<semaphore_mem>>)
    %dma_start3A_57 = arith.constant 3 : i32
    %dma_start3A_58 = arith.constant 3 : i32
    %dma_start3A_59 = arith.constant 0 : i32
    %dma_start3A_60 = arith.constant 0 : i32
    %dma_start3A_61 = tpu.memref_slice %arg8[%dma_start3A_58, %dma_start3A_59, %dma_start3A_60] : memref<4x128x8xf32, #tpu.memory_space<vmem>> -> memref<1x128x8xf32, #tpu.memory_space<vmem>>
    %dma_start3A_62 = tpu.memref_squeeze %dma_start3A_61 : memref<1x128x8xf32, #tpu.memory_space<vmem>> -> memref<128x8xf32, #tpu.memory_space<vmem>>
    %dma_start3A_63 = arith.constant 0 : i32
    %dma_start3A_64 = tpu.memref_slice %arg6[%dma_start3A_57, %dma_start3A_63] : memref<52x128xi32, #tpu.memory_space<vmem>> -> memref<1x128xi32, #tpu.memory_space<vmem>>
    %dma_start3A_65 = tpu.memref_squeeze %dma_start3A_64 : memref<1x128xi32, #tpu.memory_space<vmem>> -> memref<128xi32, #tpu.memory_space<vmem>>
    %dma_start3A_66 = arith.constant 0 : i32
    %dma_start3A_67 = arith.constant 0 : i32
    %dma_start3A_68 = tpu.memref_slice %arg2[%dma_start3A_66, %dma_start3A_67] : memref<10240x8xf32, #tpu.memory_space<hbm>> -> memref<10240x8xf32, #tpu.memory_space<hbm>>
    tpu.enqueue_indirect_dma source(%dma_start3A_68 : memref<10240x8xf32, #tpu.memory_space<hbm>>) target(%dma_start3A_62 : memref<128x8xf32, #tpu.memory_space<vmem>>) offsets(%dma_start3A_65 : memref<128xi32, #tpu.memory_space<vmem>>) semaphore(%arg13 : memref<!tpu.dma_semaphore, #tpu.memory_space<semaphore_mem>>)
    %jit3A_69 = arith.constant 4 : i32
    %div3A = arith.divsi %select_n3A_8, %jit3A_69 : i32
    %sign3A = arith.constant 0 : i32
    %sign3A_70 = arith.cmpi sgt, %select_n3A_8, %sign3A : i32
    %sign3A_71 = arith.extui %sign3A_70 : i1 to i32
    %sign3A_72 = arith.constant 0 : i32
    %sign3A_73 = arith.cmpi slt, %select_n3A_8, %sign3A_72 : i32
    %sign3A_74 = arith.extui %sign3A_73 : i1 to i32
    %sign3A_75 = arith.subi %sign3A_71, %sign3A_74 : i32
    %sign3A_76 = arith.constant 0 : i32
    %sign3A_77 = arith.cmpi sgt, %jit3A_69, %sign3A_76 : i32
    %sign3A_78 = arith.extui %sign3A_77 : i1 to i32
    %sign3A_79 = arith.constant 0 : i32
    %sign3A_80 = arith.cmpi slt, %jit3A_69, %sign3A_79 : i32
    %sign3A_81 = arith.extui %sign3A_80 : i1 to i32
    %sign3A_82 = arith.subi %sign3A_78, %sign3A_81 : i32
    %ne3A = arith.cmpi ne, %sign3A_75, %sign3A_82 : i32
    %rem3A = arith.remsi %select_n3A_8, %jit3A_69 : i32
    %ne3A_83 = arith.constant 0 : i32
    %ne3A_84 = arith.cmpi ne, %rem3A, %ne3A_83 : i32
    %and3A = arith.andi %ne3A, %ne3A_84 : i1
    %sub3A = arith.constant 1 : i32
    %sub3A_85 = arith.subi %div3A, %sub3A : i32
    %select_n3A_86 = arith.select %and3A, %sub3A_85, %div3A : i32
    %while3A = arith.constant 0 : i32
    %while3A_87 = arith.constant 0 : i32
    %while3A_88 = arith.subi %select_n3A_86, %while3A_87 : i32
    %while3A_89 = arith.addi %while3A_87, %while3A_88 : i32
    %while3A_90 = arith.constant 1 : i32
    %while3A_91 = arith.divsi %while3A_88, %while3A_90 : i32
    %while3A_92 = arith.muli %while3A_91, %while3A_90 : i32
    %while3A_93 = arith.addi %while3A_87, %while3A_92 : i32
    %while3A_94 = arith.constant 1 : i32
    scf.for %while3A_101 = %while3A_87 to %while3A_93 step %while3A_94  : i32 {
      %mul3A_102 = arith.constant 4 : i32
      %mul3A_103 = arith.muli %while3A_101, %mul3A_102 : i32
      %add3A_104 = arith.constant 0 : i32
      %add3A_105 = arith.addi %mul3A_103, %add3A_104 : i32
      %dma_wait3A = arith.constant 0 : i32
      %dma_wait3A_106 = arith.constant 0 : i32
      %dma_wait3A_107 = arith.constant 0 : i32
      %dma_wait3A_108 = tpu.memref_slice %arg8[%dma_wait3A, %dma_wait3A_106, %dma_wait3A_107] : memref<4x128x8xf32, #tpu.memory_space<vmem>> -> memref<1x128x8xf32, #tpu.memory_space<vmem>>
      %dma_wait3A_109 = tpu.memref_squeeze %dma_wait3A_108 : memref<1x128x8xf32, #tpu.memory_space<vmem>> -> memref<128x8xf32, #tpu.memory_space<vmem>>
      %dma_wait3A_110 = arith.constant 0 : i32
      %dma_wait3A_111 = tpu.memref_slice %arg6[%add3A_105, %dma_wait3A_110] : memref<52x128xi32, #tpu.memory_space<vmem>> -> memref<1x128xi32, #tpu.memory_space<vmem>>
      %dma_wait3A_112 = tpu.memref_squeeze %dma_wait3A_111 : memref<1x128xi32, #tpu.memory_space<vmem>> -> memref<128xi32, #tpu.memory_space<vmem>>
      %dma_wait3A_113 = arith.constant 0 : i32
      %dma_wait3A_114 = arith.constant 0 : i32
      %dma_wait3A_115 = tpu.memref_slice %arg2[%dma_wait3A_113, %dma_wait3A_114] : memref<10240x8xf32, #tpu.memory_space<hbm>> -> memref<10240x8xf32, #tpu.memory_space<hbm>>
      tpu.wait_indirect_dma semaphore(%arg10 : memref<!tpu.dma_semaphore, #tpu.memory_space<semaphore_mem>>) src(%dma_wait3A_115 : memref<10240x8xf32, #tpu.memory_space<hbm>>) dst(%dma_wait3A_109 : memref<128x8xf32, #tpu.memory_space<vmem>>)
      %run_scoped3A_116 = arith.constant 0 : i32
      "tpu.region"() ({
        %run_scoped3A_188 = tpu.sem_alloc : memref<!tpu.dma_semaphore, #tpu.memory_space<semaphore_mem>>
        %dma_start3A_189 = arith.constant 0 : i32
        %dma_start3A_190 = arith.constant 0 : i32
        %dma_start3A_191 = tpu.memref_slice %arg8[%run_scoped3A_116, %dma_start3A_189, %dma_start3A_190] : memref<4x128x8xf32, #tpu.memory_space<vmem>> -> memref<1x128x8xf32, #tpu.memory_space<vmem>>
        %dma_start3A_192 = tpu.memref_squeeze %dma_start3A_191 : memref<1x128x8xf32, #tpu.memory_space<vmem>> -> memref<128x8xf32, #tpu.memory_space<vmem>>
        %dma_start3A_193 = arith.constant 0 : i32
        %dma_start3A_194 = tpu.memref_slice %arg7[%add3A_105, %dma_start3A_193] : memref<52x128xi32, #tpu.memory_space<vmem>> -> memref<1x128xi32, #tpu.memory_space<vmem>>
        %dma_start3A_195 = tpu.memref_squeeze %dma_start3A_194 : memref<1x128xi32, #tpu.memory_space<vmem>> -> memref<128xi32, #tpu.memory_space<vmem>>
        %dma_start3A_196 = arith.constant 0 : i32
        %dma_start3A_197 = arith.constant 0 : i32
        %dma_start3A_198 = tpu.memref_slice %arg9[%dma_start3A_196, %dma_start3A_197] : memref<10240x8xf32, #tpu.memory_space<vmem_shared>> -> memref<10240x8xf32, #tpu.memory_space<vmem_shared>>
        tpu.enqueue_indirect_dma source(%dma_start3A_192 : memref<128x8xf32, #tpu.memory_space<vmem>>) target(%dma_start3A_198 : memref<10240x8xf32, #tpu.memory_space<vmem_shared>>) offsets(%dma_start3A_195 : memref<128xi32, #tpu.memory_space<vmem>>) semaphore(%run_scoped3A_188 : memref<!tpu.dma_semaphore, #tpu.memory_space<semaphore_mem>>) {add = true}
        %dma_wait3A_199 = arith.constant 0 : i32
        %dma_wait3A_200 = arith.constant 0 : i32
        %dma_wait3A_201 = tpu.memref_slice %arg8[%run_scoped3A_116, %dma_wait3A_199, %dma_wait3A_200] : memref<4x128x8xf32, #tpu.memory_space<vmem>> -> memref<1x128x8xf32, #tpu.memory_space<vmem>>
        %dma_wait3A_202 = tpu.memref_squeeze %dma_wait3A_201 : memref<1x128x8xf32, #tpu.memory_space<vmem>> -> memref<128x8xf32, #tpu.memory_space<vmem>>
        %dma_wait3A_203 = arith.constant 0 : i32
        %dma_wait3A_204 = tpu.memref_slice %arg7[%add3A_105, %dma_wait3A_203] : memref<52x128xi32, #tpu.memory_space<vmem>> -> memref<1x128xi32, #tpu.memory_space<vmem>>
        %dma_wait3A_205 = tpu.memref_squeeze %dma_wait3A_204 : memref<1x128xi32, #tpu.memory_space<vmem>> -> memref<128xi32, #tpu.memory_space<vmem>>
        %dma_wait3A_206 = arith.constant 0 : i32
        %dma_wait3A_207 = arith.constant 0 : i32
        %dma_wait3A_208 = tpu.memref_slice %arg9[%dma_wait3A_206, %dma_wait3A_207] : memref<10240x8xf32, #tpu.memory_space<vmem_shared>> -> memref<10240x8xf32, #tpu.memory_space<vmem_shared>>
        tpu.wait_indirect_dma semaphore(%run_scoped3A_188 : memref<!tpu.dma_semaphore, #tpu.memory_space<semaphore_mem>>) src(%dma_wait3A_202 : memref<128x8xf32, #tpu.memory_space<vmem>>) dst(%dma_wait3A_208 : memref<10240x8xf32, #tpu.memory_space<vmem_shared>>)
        tpu.yield
      }) : () -> ()
      %add3A_117 = arith.constant 4 : i32
      %add3A_118 = arith.addi %add3A_105, %add3A_117 : i32
      %lt3A = arith.cmpi slt, %add3A_118, %select_n3A_8 : i32
      %convert_element_type3A_119 = arith.extui %lt3A : i1 to i32
      %cond3A_120 = arith.constant 0 : i32
      %cond3A_121 = arith.cmpi ne, %convert_element_type3A_119, %cond3A_120 : i32
      scf.if %cond3A_121 {
        %dma_start3A_188 = arith.constant 0 : i32
        %dma_start3A_189 = arith.constant 0 : i32
        %dma_start3A_190 = arith.constant 0 : i32
        %dma_start3A_191 = tpu.memref_slice %arg8[%dma_start3A_188, %dma_start3A_189, %dma_start3A_190] : memref<4x128x8xf32, #tpu.memory_space<vmem>> -> memref<1x128x8xf32, #tpu.memory_space<vmem>>
        %dma_start3A_192 = tpu.memref_squeeze %dma_start3A_191 : memref<1x128x8xf32, #tpu.memory_space<vmem>> -> memref<128x8xf32, #tpu.memory_space<vmem>>
        %dma_start3A_193 = arith.constant 0 : i32
        %dma_start3A_194 = tpu.memref_slice %arg6[%add3A_118, %dma_start3A_193] : memref<52x128xi32, #tpu.memory_space<vmem>> -> memref<1x128xi32, #tpu.memory_space<vmem>>
        %dma_start3A_195 = tpu.memref_squeeze %dma_start3A_194 : memref<1x128xi32, #tpu.memory_space<vmem>> -> memref<128xi32, #tpu.memory_space<vmem>>
        %dma_start3A_196 = arith.constant 0 : i32
        %dma_start3A_197 = arith.constant 0 : i32
        %dma_start3A_198 = tpu.memref_slice %arg2[%dma_start3A_196, %dma_start3A_197] : memref<10240x8xf32, #tpu.memory_space<hbm>> -> memref<10240x8xf32, #tpu.memory_space<hbm>>
        tpu.enqueue_indirect_dma source(%dma_start3A_198 : memref<10240x8xf32, #tpu.memory_space<hbm>>) target(%dma_start3A_192 : memref<128x8xf32, #tpu.memory_space<vmem>>) offsets(%dma_start3A_195 : memref<128xi32, #tpu.memory_space<vmem>>) semaphore(%arg10 : memref<!tpu.dma_semaphore, #tpu.memory_space<semaphore_mem>>)
      } else {
      }
      %mul3A_122 = arith.constant 4 : i32
      %mul3A_123 = arith.muli %while3A_101, %mul3A_122 : i32
      %add3A_124 = arith.constant 1 : i32
      %add3A_125 = arith.addi %mul3A_123, %add3A_124 : i32
      %dma_wait3A_126 = arith.constant 1 : i32
      %dma_wait3A_127 = arith.constant 0 : i32
      %dma_wait3A_128 = arith.constant 0 : i32
      %dma_wait3A_129 = tpu.memref_slice %arg8[%dma_wait3A_126, %dma_wait3A_127, %dma_wait3A_128] : memref<4x128x8xf32, #tpu.memory_space<vmem>> -> memref<1x128x8xf32, #tpu.memory_space<vmem>>
      %dma_wait3A_130 = tpu.memref_squeeze %dma_wait3A_129 : memref<1x128x8xf32, #tpu.memory_space<vmem>> -> memref<128x8xf32, #tpu.memory_space<vmem>>
      %dma_wait3A_131 = arith.constant 0 : i32
      %dma_wait3A_132 = tpu.memref_slice %arg6[%add3A_125, %dma_wait3A_131] : memref<52x128xi32, #tpu.memory_space<vmem>> -> memref<1x128xi32, #tpu.memory_space<vmem>>
      %dma_wait3A_133 = tpu.memref_squeeze %dma_wait3A_132 : memref<1x128xi32, #tpu.memory_space<vmem>> -> memref<128xi32, #tpu.memory_space<vmem>>
      %dma_wait3A_134 = arith.constant 0 : i32
      %dma_wait3A_135 = arith.constant 0 : i32
      %dma_wait3A_136 = tpu.memref_slice %arg2[%dma_wait3A_134, %dma_wait3A_135] : memref<10240x8xf32, #tpu.memory_space<hbm>> -> memref<10240x8xf32, #tpu.memory_space<hbm>>
      tpu.wait_indirect_dma semaphore(%arg11 : memref<!tpu.dma_semaphore, #tpu.memory_space<semaphore_mem>>) src(%dma_wait3A_136 : memref<10240x8xf32, #tpu.memory_space<hbm>>) dst(%dma_wait3A_130 : memref<128x8xf32, #tpu.memory_space<vmem>>)
      %run_scoped3A_137 = arith.constant 1 : i32
      "tpu.region"() ({
        %run_scoped3A_188 = tpu.sem_alloc : memref<!tpu.dma_semaphore, #tpu.memory_space<semaphore_mem>>
        %dma_start3A_189 = arith.constant 0 : i32
        %dma_start3A_190 = arith.constant 0 : i32
        %dma_start3A_191 = tpu.memref_slice %arg8[%run_scoped3A_137, %dma_start3A_189, %dma_start3A_190] : memref<4x128x8xf32, #tpu.memory_space<vmem>> -> memref<1x128x8xf32, #tpu.memory_space<vmem>>
        %dma_start3A_192 = tpu.memref_squeeze %dma_start3A_191 : memref<1x128x8xf32, #tpu.memory_space<vmem>> -> memref<128x8xf32, #tpu.memory_space<vmem>>
        %dma_start3A_193 = arith.constant 0 : i32
        %dma_start3A_194 = tpu.memref_slice %arg7[%add3A_125, %dma_start3A_193] : memref<52x128xi32, #tpu.memory_space<vmem>> -> memref<1x128xi32, #tpu.memory_space<vmem>>
        %dma_start3A_195 = tpu.memref_squeeze %dma_start3A_194 : memref<1x128xi32, #tpu.memory_space<vmem>> -> memref<128xi32, #tpu.memory_space<vmem>>
        %dma_start3A_196 = arith.constant 0 : i32
        %dma_start3A_197 = arith.constant 0 : i32
        %dma_start3A_198 = tpu.memref_slice %arg9[%dma_start3A_196, %dma_start3A_197] : memref<10240x8xf32, #tpu.memory_space<vmem_shared>> -> memref<10240x8xf32, #tpu.memory_space<vmem_shared>>
        tpu.enqueue_indirect_dma source(%dma_start3A_192 : memref<128x8xf32, #tpu.memory_space<vmem>>) target(%dma_start3A_198 : memref<10240x8xf32, #tpu.memory_space<vmem_shared>>) offsets(%dma_start3A_195 : memref<128xi32, #tpu.memory_space<vmem>>) semaphore(%run_scoped3A_188 : memref<!tpu.dma_semaphore, #tpu.memory_space<semaphore_mem>>) {add = true}
        %dma_wait3A_199 = arith.constant 0 : i32
        %dma_wait3A_200 = arith.constant 0 : i32
        %dma_wait3A_201 = tpu.memref_slice %arg8[%run_scoped3A_137, %dma_wait3A_199, %dma_wait3A_200] : memref<4x128x8xf32, #tpu.memory_space<vmem>> -> memref<1x128x8xf32, #tpu.memory_space<vmem>>
        %dma_wait3A_202 = tpu.memref_squeeze %dma_wait3A_201 : memref<1x128x8xf32, #tpu.memory_space<vmem>> -> memref<128x8xf32, #tpu.memory_space<vmem>>
        %dma_wait3A_203 = arith.constant 0 : i32
        %dma_wait3A_204 = tpu.memref_slice %arg7[%add3A_125, %dma_wait3A_203] : memref<52x128xi32, #tpu.memory_space<vmem>> -> memref<1x128xi32, #tpu.memory_space<vmem>>
        %dma_wait3A_205 = tpu.memref_squeeze %dma_wait3A_204 : memref<1x128xi32, #tpu.memory_space<vmem>> -> memref<128xi32, #tpu.memory_space<vmem>>
        %dma_wait3A_206 = arith.constant 0 : i32
        %dma_wait3A_207 = arith.constant 0 : i32
        %dma_wait3A_208 = tpu.memref_slice %arg9[%dma_wait3A_206, %dma_wait3A_207] : memref<10240x8xf32, #tpu.memory_space<vmem_shared>> -> memref<10240x8xf32, #tpu.memory_space<vmem_shared>>
        tpu.wait_indirect_dma semaphore(%run_scoped3A_188 : memref<!tpu.dma_semaphore, #tpu.memory_space<semaphore_mem>>) src(%dma_wait3A_202 : memref<128x8xf32, #tpu.memory_space<vmem>>) dst(%dma_wait3A_208 : memref<10240x8xf32, #tpu.memory_space<vmem_shared>>)
        tpu.yield
      }) : () -> ()
      %add3A_138 = arith.constant 4 : i32
      %add3A_139 = arith.addi %add3A_125, %add3A_138 : i32
      %lt3A_140 = arith.cmpi slt, %add3A_139, %select_n3A_8 : i32
      %convert_element_type3A_141 = arith.extui %lt3A_140 : i1 to i32
      %cond3A_142 = arith.constant 0 : i32
      %cond3A_143 = arith.cmpi ne, %convert_element_type3A_141, %cond3A_142 : i32
      scf.if %cond3A_143 {
        %dma_start3A_188 = arith.constant 1 : i32
        %dma_start3A_189 = arith.constant 0 : i32
        %dma_start3A_190 = arith.constant 0 : i32
        %dma_start3A_191 = tpu.memref_slice %arg8[%dma_start3A_188, %dma_start3A_189, %dma_start3A_190] : memref<4x128x8xf32, #tpu.memory_space<vmem>> -> memref<1x128x8xf32, #tpu.memory_space<vmem>>
        %dma_start3A_192 = tpu.memref_squeeze %dma_start3A_191 : memref<1x128x8xf32, #tpu.memory_space<vmem>> -> memref<128x8xf32, #tpu.memory_space<vmem>>
        %dma_start3A_193 = arith.constant 0 : i32
        %dma_start3A_194 = tpu.memref_slice %arg6[%add3A_139, %dma_start3A_193] : memref<52x128xi32, #tpu.memory_space<vmem>> -> memref<1x128xi32, #tpu.memory_space<vmem>>
        %dma_start3A_195 = tpu.memref_squeeze %dma_start3A_194 : memref<1x128xi32, #tpu.memory_space<vmem>> -> memref<128xi32, #tpu.memory_space<vmem>>
        %dma_start3A_196 = arith.constant 0 : i32
        %dma_start3A_197 = arith.constant 0 : i32
        %dma_start3A_198 = tpu.memref_slice %arg2[%dma_start3A_196, %dma_start3A_197] : memref<10240x8xf32, #tpu.memory_space<hbm>> -> memref<10240x8xf32, #tpu.memory_space<hbm>>
        tpu.enqueue_indirect_dma source(%dma_start3A_198 : memref<10240x8xf32, #tpu.memory_space<hbm>>) target(%dma_start3A_192 : memref<128x8xf32, #tpu.memory_space<vmem>>) offsets(%dma_start3A_195 : memref<128xi32, #tpu.memory_space<vmem>>) semaphore(%arg11 : memref<!tpu.dma_semaphore, #tpu.memory_space<semaphore_mem>>)
      } else {
      }
      %mul3A_144 = arith.constant 4 : i32
      %mul3A_145 = arith.muli %while3A_101, %mul3A_144 : i32
      %add3A_146 = arith.constant 2 : i32
      %add3A_147 = arith.addi %mul3A_145, %add3A_146 : i32
      %dma_wait3A_148 = arith.constant 2 : i32
      %dma_wait3A_149 = arith.constant 0 : i32
      %dma_wait3A_150 = arith.constant 0 : i32
      %dma_wait3A_151 = tpu.memref_slice %arg8[%dma_wait3A_148, %dma_wait3A_149, %dma_wait3A_150] : memref<4x128x8xf32, #tpu.memory_space<vmem>> -> memref<1x128x8xf32, #tpu.memory_space<vmem>>
      %dma_wait3A_152 = tpu.memref_squeeze %dma_wait3A_151 : memref<1x128x8xf32, #tpu.memory_space<vmem>> -> memref<128x8xf32, #tpu.memory_space<vmem>>
      %dma_wait3A_153 = arith.constant 0 : i32
      %dma_wait3A_154 = tpu.memref_slice %arg6[%add3A_147, %dma_wait3A_153] : memref<52x128xi32, #tpu.memory_space<vmem>> -> memref<1x128xi32, #tpu.memory_space<vmem>>
      %dma_wait3A_155 = tpu.memref_squeeze %dma_wait3A_154 : memref<1x128xi32, #tpu.memory_space<vmem>> -> memref<128xi32, #tpu.memory_space<vmem>>
      %dma_wait3A_156 = arith.constant 0 : i32
      %dma_wait3A_157 = arith.constant 0 : i32
      %dma_wait3A_158 = tpu.memref_slice %arg2[%dma_wait3A_156, %dma_wait3A_157] : memref<10240x8xf32, #tpu.memory_space<hbm>> -> memref<10240x8xf32, #tpu.memory_space<hbm>>
      tpu.wait_indirect_dma semaphore(%arg12 : memref<!tpu.dma_semaphore, #tpu.memory_space<semaphore_mem>>) src(%dma_wait3A_158 : memref<10240x8xf32, #tpu.memory_space<hbm>>) dst(%dma_wait3A_152 : memref<128x8xf32, #tpu.memory_space<vmem>>)
      %run_scoped3A_159 = arith.constant 2 : i32
      "tpu.region"() ({
        %run_scoped3A_188 = tpu.sem_alloc : memref<!tpu.dma_semaphore, #tpu.memory_space<semaphore_mem>>
        %dma_start3A_189 = arith.constant 0 : i32
        %dma_start3A_190 = arith.constant 0 : i32
        %dma_start3A_191 = tpu.memref_slice %arg8[%run_scoped3A_159, %dma_start3A_189, %dma_start3A_190] : memref<4x128x8xf32, #tpu.memory_space<vmem>> -> memref<1x128x8xf32, #tpu.memory_space<vmem>>
        %dma_start3A_192 = tpu.memref_squeeze %dma_start3A_191 : memref<1x128x8xf32, #tpu.memory_space<vmem>> -> memref<128x8xf32, #tpu.memory_space<vmem>>
        %dma_start3A_193 = arith.constant 0 : i32
        %dma_start3A_194 = tpu.memref_slice %arg7[%add3A_147, %dma_start3A_193] : memref<52x128xi32, #tpu.memory_space<vmem>> -> memref<1x128xi32, #tpu.memory_space<vmem>>
        %dma_start3A_195 = tpu.memref_squeeze %dma_start3A_194 : memref<1x128xi32, #tpu.memory_space<vmem>> -> memref<128xi32, #tpu.memory_space<vmem>>
        %dma_start3A_196 = arith.constant 0 : i32
        %dma_start3A_197 = arith.constant 0 : i32
        %dma_start3A_198 = tpu.memref_slice %arg9[%dma_start3A_196, %dma_start3A_197] : memref<10240x8xf32, #tpu.memory_space<vmem_shared>> -> memref<10240x8xf32, #tpu.memory_space<vmem_shared>>
        tpu.enqueue_indirect_dma source(%dma_start3A_192 : memref<128x8xf32, #tpu.memory_space<vmem>>) target(%dma_start3A_198 : memref<10240x8xf32, #tpu.memory_space<vmem_shared>>) offsets(%dma_start3A_195 : memref<128xi32, #tpu.memory_space<vmem>>) semaphore(%run_scoped3A_188 : memref<!tpu.dma_semaphore, #tpu.memory_space<semaphore_mem>>) {add = true}
        %dma_wait3A_199 = arith.constant 0 : i32
        %dma_wait3A_200 = arith.constant 0 : i32
        %dma_wait3A_201 = tpu.memref_slice %arg8[%run_scoped3A_159, %dma_wait3A_199, %dma_wait3A_200] : memref<4x128x8xf32, #tpu.memory_space<vmem>> -> memref<1x128x8xf32, #tpu.memory_space<vmem>>
        %dma_wait3A_202 = tpu.memref_squeeze %dma_wait3A_201 : memref<1x128x8xf32, #tpu.memory_space<vmem>> -> memref<128x8xf32, #tpu.memory_space<vmem>>
        %dma_wait3A_203 = arith.constant 0 : i32
        %dma_wait3A_204 = tpu.memref_slice %arg7[%add3A_147, %dma_wait3A_203] : memref<52x128xi32, #tpu.memory_space<vmem>> -> memref<1x128xi32, #tpu.memory_space<vmem>>
        %dma_wait3A_205 = tpu.memref_squeeze %dma_wait3A_204 : memref<1x128xi32, #tpu.memory_space<vmem>> -> memref<128xi32, #tpu.memory_space<vmem>>
        %dma_wait3A_206 = arith.constant 0 : i32
        %dma_wait3A_207 = arith.constant 0 : i32
        %dma_wait3A_208 = tpu.memref_slice %arg9[%dma_wait3A_206, %dma_wait3A_207] : memref<10240x8xf32, #tpu.memory_space<vmem_shared>> -> memref<10240x8xf32, #tpu.memory_space<vmem_shared>>
        tpu.wait_indirect_dma semaphore(%run_scoped3A_188 : memref<!tpu.dma_semaphore, #tpu.memory_space<semaphore_mem>>) src(%dma_wait3A_202 : memref<128x8xf32, #tpu.memory_space<vmem>>) dst(%dma_wait3A_208 : memref<10240x8xf32, #tpu.memory_space<vmem_shared>>)
        tpu.yield
      }) : () -> ()
      %add3A_160 = arith.constant 4 : i32
      %add3A_161 = arith.addi %add3A_147, %add3A_160 : i32
      %lt3A_162 = arith.cmpi slt, %add3A_161, %select_n3A_8 : i32
      %convert_element_type3A_163 = arith.extui %lt3A_162 : i1 to i32
      %cond3A_164 = arith.constant 0 : i32
      %cond3A_165 = arith.cmpi ne, %convert_element_type3A_163, %cond3A_164 : i32
      scf.if %cond3A_165 {
        %dma_start3A_188 = arith.constant 2 : i32
        %dma_start3A_189 = arith.constant 0 : i32
        %dma_start3A_190 = arith.constant 0 : i32
        %dma_start3A_191 = tpu.memref_slice %arg8[%dma_start3A_188, %dma_start3A_189, %dma_start3A_190] : memref<4x128x8xf32, #tpu.memory_space<vmem>> -> memref<1x128x8xf32, #tpu.memory_space<vmem>>
        %dma_start3A_192 = tpu.memref_squeeze %dma_start3A_191 : memref<1x128x8xf32, #tpu.memory_space<vmem>> -> memref<128x8xf32, #tpu.memory_space<vmem>>
        %dma_start3A_193 = arith.constant 0 : i32
        %dma_start3A_194 = tpu.memref_slice %arg6[%add3A_161, %dma_start3A_193] : memref<52x128xi32, #tpu.memory_space<vmem>> -> memref<1x128xi32, #tpu.memory_space<vmem>>
        %dma_start3A_195 = tpu.memref_squeeze %dma_start3A_194 : memref<1x128xi32, #tpu.memory_space<vmem>> -> memref<128xi32, #tpu.memory_space<vmem>>
        %dma_start3A_196 = arith.constant 0 : i32
        %dma_start3A_197 = arith.constant 0 : i32
        %dma_start3A_198 = tpu.memref_slice %arg2[%dma_start3A_196, %dma_start3A_197] : memref<10240x8xf32, #tpu.memory_space<hbm>> -> memref<10240x8xf32, #tpu.memory_space<hbm>>
        tpu.enqueue_indirect_dma source(%dma_start3A_198 : memref<10240x8xf32, #tpu.memory_space<hbm>>) target(%dma_start3A_192 : memref<128x8xf32, #tpu.memory_space<vmem>>) offsets(%dma_start3A_195 : memref<128xi32, #tpu.memory_space<vmem>>) semaphore(%arg12 : memref<!tpu.dma_semaphore, #tpu.memory_space<semaphore_mem>>)
      } else {
      }
      %mul3A_166 = arith.constant 4 : i32
      %mul3A_167 = arith.muli %while3A_101, %mul3A_166 : i32
      %add3A_168 = arith.constant 3 : i32
      %add3A_169 = arith.addi %mul3A_167, %add3A_168 : i32
      %dma_wait3A_170 = arith.constant 3 : i32
      %dma_wait3A_171 = arith.constant 0 : i32
      %dma_wait3A_172 = arith.constant 0 : i32
      %dma_wait3A_173 = tpu.memref_slice %arg8[%dma_wait3A_170, %dma_wait3A_171, %dma_wait3A_172] : memref<4x128x8xf32, #tpu.memory_space<vmem>> -> memref<1x128x8xf32, #tpu.memory_space<vmem>>
      %dma_wait3A_174 = tpu.memref_squeeze %dma_wait3A_173 : memref<1x128x8xf32, #tpu.memory_space<vmem>> -> memref<128x8xf32, #tpu.memory_space<vmem>>
      %dma_wait3A_175 = arith.constant 0 : i32
      %dma_wait3A_176 = tpu.memref_slice %arg6[%add3A_169, %dma_wait3A_175] : memref<52x128xi32, #tpu.memory_space<vmem>> -> memref<1x128xi32, #tpu.memory_space<vmem>>
      %dma_wait3A_177 = tpu.memref_squeeze %dma_wait3A_176 : memref<1x128xi32, #tpu.memory_space<vmem>> -> memref<128xi32, #tpu.memory_space<vmem>>
      %dma_wait3A_178 = arith.constant 0 : i32
      %dma_wait3A_179 = arith.constant 0 : i32
      %dma_wait3A_180 = tpu.memref_slice %arg2[%dma_wait3A_178, %dma_wait3A_179] : memref<10240x8xf32, #tpu.memory_space<hbm>> -> memref<10240x8xf32, #tpu.memory_space<hbm>>
      tpu.wait_indirect_dma semaphore(%arg13 : memref<!tpu.dma_semaphore, #tpu.memory_space<semaphore_mem>>) src(%dma_wait3A_180 : memref<10240x8xf32, #tpu.memory_space<hbm>>) dst(%dma_wait3A_174 : memref<128x8xf32, #tpu.memory_space<vmem>>)
      %run_scoped3A_181 = arith.constant 3 : i32
      "tpu.region"() ({
        %run_scoped3A_188 = tpu.sem_alloc : memref<!tpu.dma_semaphore, #tpu.memory_space<semaphore_mem>>
        %dma_start3A_189 = arith.constant 0 : i32
        %dma_start3A_190 = arith.constant 0 : i32
        %dma_start3A_191 = tpu.memref_slice %arg8[%run_scoped3A_181, %dma_start3A_189, %dma_start3A_190] : memref<4x128x8xf32, #tpu.memory_space<vmem>> -> memref<1x128x8xf32, #tpu.memory_space<vmem>>
        %dma_start3A_192 = tpu.memref_squeeze %dma_start3A_191 : memref<1x128x8xf32, #tpu.memory_space<vmem>> -> memref<128x8xf32, #tpu.memory_space<vmem>>
        %dma_start3A_193 = arith.constant 0 : i32
        %dma_start3A_194 = tpu.memref_slice %arg7[%add3A_169, %dma_start3A_193] : memref<52x128xi32, #tpu.memory_space<vmem>> -> memref<1x128xi32, #tpu.memory_space<vmem>>
        %dma_start3A_195 = tpu.memref_squeeze %dma_start3A_194 : memref<1x128xi32, #tpu.memory_space<vmem>> -> memref<128xi32, #tpu.memory_space<vmem>>
        %dma_start3A_196 = arith.constant 0 : i32
        %dma_start3A_197 = arith.constant 0 : i32
        %dma_start3A_198 = tpu.memref_slice %arg9[%dma_start3A_196, %dma_start3A_197] : memref<10240x8xf32, #tpu.memory_space<vmem_shared>> -> memref<10240x8xf32, #tpu.memory_space<vmem_shared>>
        tpu.enqueue_indirect_dma source(%dma_start3A_192 : memref<128x8xf32, #tpu.memory_space<vmem>>) target(%dma_start3A_198 : memref<10240x8xf32, #tpu.memory_space<vmem_shared>>) offsets(%dma_start3A_195 : memref<128xi32, #tpu.memory_space<vmem>>) semaphore(%run_scoped3A_188 : memref<!tpu.dma_semaphore, #tpu.memory_space<semaphore_mem>>) {add = true}
        %dma_wait3A_199 = arith.constant 0 : i32
        %dma_wait3A_200 = arith.constant 0 : i32
        %dma_wait3A_201 = tpu.memref_slice %arg8[%run_scoped3A_181, %dma_wait3A_199, %dma_wait3A_200] : memref<4x128x8xf32, #tpu.memory_space<vmem>> -> memref<1x128x8xf32, #tpu.memory_space<vmem>>
        %dma_wait3A_202 = tpu.memref_squeeze %dma_wait3A_201 : memref<1x128x8xf32, #tpu.memory_space<vmem>> -> memref<128x8xf32, #tpu.memory_space<vmem>>
        %dma_wait3A_203 = arith.constant 0 : i32
        %dma_wait3A_204 = tpu.memref_slice %arg7[%add3A_169, %dma_wait3A_203] : memref<52x128xi32, #tpu.memory_space<vmem>> -> memref<1x128xi32, #tpu.memory_space<vmem>>
        %dma_wait3A_205 = tpu.memref_squeeze %dma_wait3A_204 : memref<1x128xi32, #tpu.memory_space<vmem>> -> memref<128xi32, #tpu.memory_space<vmem>>
        %dma_wait3A_206 = arith.constant 0 : i32
        %dma_wait3A_207 = arith.constant 0 : i32
        %dma_wait3A_208 = tpu.memref_slice %arg9[%dma_wait3A_206, %dma_wait3A_207] : memref<10240x8xf32, #tpu.memory_space<vmem_shared>> -> memref<10240x8xf32, #tpu.memory_space<vmem_shared>>
        tpu.wait_indirect_dma semaphore(%run_scoped3A_188 : memref<!tpu.dma_semaphore, #tpu.memory_space<semaphore_mem>>) src(%dma_wait3A_202 : memref<128x8xf32, #tpu.memory_space<vmem>>) dst(%dma_wait3A_208 : memref<10240x8xf32, #tpu.memory_space<vmem_shared>>)
        tpu.yield
      }) : () -> ()
      %add3A_182 = arith.constant 4 : i32
      %add3A_183 = arith.addi %add3A_169, %add3A_182 : i32
      %lt3A_184 = arith.cmpi slt, %add3A_183, %select_n3A_8 : i32
      %convert_element_type3A_185 = arith.extui %lt3A_184 : i1 to i32
      %cond3A_186 = arith.constant 0 : i32
      %cond3A_187 = arith.cmpi ne, %convert_element_type3A_185, %cond3A_186 : i32
      scf.if %cond3A_187 {
        %dma_start3A_188 = arith.constant 3 : i32
        %dma_start3A_189 = arith.constant 0 : i32
        %dma_start3A_190 = arith.constant 0 : i32
        %dma_start3A_191 = tpu.memref_slice %arg8[%dma_start3A_188, %dma_start3A_189, %dma_start3A_190] : memref<4x128x8xf32, #tpu.memory_space<vmem>> -> memref<1x128x8xf32, #tpu.memory_space<vmem>>
        %dma_start3A_192 = tpu.memref_squeeze %dma_start3A_191 : memref<1x128x8xf32, #tpu.memory_space<vmem>> -> memref<128x8xf32, #tpu.memory_space<vmem>>
        %dma_start3A_193 = arith.constant 0 : i32
        %dma_start3A_194 = tpu.memref_slice %arg6[%add3A_183, %dma_start3A_193] : memref<52x128xi32, #tpu.memory_space<vmem>> -> memref<1x128xi32, #tpu.memory_space<vmem>>
        %dma_start3A_195 = tpu.memref_squeeze %dma_start3A_194 : memref<1x128xi32, #tpu.memory_space<vmem>> -> memref<128xi32, #tpu.memory_space<vmem>>
        %dma_start3A_196 = arith.constant 0 : i32
        %dma_start3A_197 = arith.constant 0 : i32
        %dma_start3A_198 = tpu.memref_slice %arg2[%dma_start3A_196, %dma_start3A_197] : memref<10240x8xf32, #tpu.memory_space<hbm>> -> memref<10240x8xf32, #tpu.memory_space<hbm>>
        tpu.enqueue_indirect_dma source(%dma_start3A_198 : memref<10240x8xf32, #tpu.memory_space<hbm>>) target(%dma_start3A_192 : memref<128x8xf32, #tpu.memory_space<vmem>>) offsets(%dma_start3A_195 : memref<128xi32, #tpu.memory_space<vmem>>) semaphore(%arg13 : memref<!tpu.dma_semaphore, #tpu.memory_space<semaphore_mem>>)
      } else {
      }
    }
    %while3A_95 = arith.constant 1 : i32
    scf.for %while3A_101 = %while3A_93 to %while3A_89 step %while3A_95  : i32 {
      %mul3A_102 = arith.constant 4 : i32
      %mul3A_103 = arith.muli %while3A_101, %mul3A_102 : i32
      %add3A_104 = arith.constant 0 : i32
      %add3A_105 = arith.addi %mul3A_103, %add3A_104 : i32
      %dma_wait3A = arith.constant 0 : i32
      %dma_wait3A_106 = arith.constant 0 : i32
      %dma_wait3A_107 = arith.constant 0 : i32
      %dma_wait3A_108 = tpu.memref_slice %arg8[%dma_wait3A, %dma_wait3A_106, %dma_wait3A_107] : memref<4x128x8xf32, #tpu.memory_space<vmem>> -> memref<1x128x8xf32, #tpu.memory_space<vmem>>
      %dma_wait3A_109 = tpu.memref_squeeze %dma_wait3A_108 : memref<1x128x8xf32, #tpu.memory_space<vmem>> -> memref<128x8xf32, #tpu.memory_space<vmem>>
      %dma_wait3A_110 = arith.constant 0 : i32
      %dma_wait3A_111 = tpu.memref_slice %arg6[%add3A_105, %dma_wait3A_110] : memref<52x128xi32, #tpu.memory_space<vmem>> -> memref<1x128xi32, #tpu.memory_space<vmem>>
      %dma_wait3A_112 = tpu.memref_squeeze %dma_wait3A_111 : memref<1x128xi32, #tpu.memory_space<vmem>> -> memref<128xi32, #tpu.memory_space<vmem>>
      %dma_wait3A_113 = arith.constant 0 : i32
      %dma_wait3A_114 = arith.constant 0 : i32
      %dma_wait3A_115 = tpu.memref_slice %arg2[%dma_wait3A_113, %dma_wait3A_114] : memref<10240x8xf32, #tpu.memory_space<hbm>> -> memref<10240x8xf32, #tpu.memory_space<hbm>>
      tpu.wait_indirect_dma semaphore(%arg10 : memref<!tpu.dma_semaphore, #tpu.memory_space<semaphore_mem>>) src(%dma_wait3A_115 : memref<10240x8xf32, #tpu.memory_space<hbm>>) dst(%dma_wait3A_109 : memref<128x8xf32, #tpu.memory_space<vmem>>)
      %run_scoped3A_116 = arith.constant 0 : i32
      "tpu.region"() ({
        %run_scoped3A_188 = tpu.sem_alloc : memref<!tpu.dma_semaphore, #tpu.memory_space<semaphore_mem>>
        %dma_start3A_189 = arith.constant 0 : i32
        %dma_start3A_190 = arith.constant 0 : i32
        %dma_start3A_191 = tpu.memref_slice %arg8[%run_scoped3A_116, %dma_start3A_189, %dma_start3A_190] : memref<4x128x8xf32, #tpu.memory_space<vmem>> -> memref<1x128x8xf32, #tpu.memory_space<vmem>>
        %dma_start3A_192 = tpu.memref_squeeze %dma_start3A_191 : memref<1x128x8xf32, #tpu.memory_space<vmem>> -> memref<128x8xf32, #tpu.memory_space<vmem>>
        %dma_start3A_193 = arith.constant 0 : i32
        %dma_start3A_194 = tpu.memref_slice %arg7[%add3A_105, %dma_start3A_193] : memref<52x128xi32, #tpu.memory_space<vmem>> -> memref<1x128xi32, #tpu.memory_space<vmem>>
        %dma_start3A_195 = tpu.memref_squeeze %dma_start3A_194 : memref<1x128xi32, #tpu.memory_space<vmem>> -> memref<128xi32, #tpu.memory_space<vmem>>
        %dma_start3A_196 = arith.constant 0 : i32
        %dma_start3A_197 = arith.constant 0 : i32
        %dma_start3A_198 = tpu.memref_slice %arg9[%dma_start3A_196, %dma_start3A_197] : memref<10240x8xf32, #tpu.memory_space<vmem_shared>> -> memref<10240x8xf32, #tpu.memory_space<vmem_shared>>
        tpu.enqueue_indirect_dma source(%dma_start3A_192 : memref<128x8xf32, #tpu.memory_space<vmem>>) target(%dma_start3A_198 : memref<10240x8xf32, #tpu.memory_space<vmem_shared>>) offsets(%dma_start3A_195 : memref<128xi32, #tpu.memory_space<vmem>>) semaphore(%run_scoped3A_188 : memref<!tpu.dma_semaphore, #tpu.memory_space<semaphore_mem>>) {add = true}
        %dma_wait3A_199 = arith.constant 0 : i32
        %dma_wait3A_200 = arith.constant 0 : i32
        %dma_wait3A_201 = tpu.memref_slice %arg8[%run_scoped3A_116, %dma_wait3A_199, %dma_wait3A_200] : memref<4x128x8xf32, #tpu.memory_space<vmem>> -> memref<1x128x8xf32, #tpu.memory_space<vmem>>
        %dma_wait3A_202 = tpu.memref_squeeze %dma_wait3A_201 : memref<1x128x8xf32, #tpu.memory_space<vmem>> -> memref<128x8xf32, #tpu.memory_space<vmem>>
        %dma_wait3A_203 = arith.constant 0 : i32
        %dma_wait3A_204 = tpu.memref_slice %arg7[%add3A_105, %dma_wait3A_203] : memref<52x128xi32, #tpu.memory_space<vmem>> -> memref<1x128xi32, #tpu.memory_space<vmem>>
        %dma_wait3A_205 = tpu.memref_squeeze %dma_wait3A_204 : memref<1x128xi32, #tpu.memory_space<vmem>> -> memref<128xi32, #tpu.memory_space<vmem>>
        %dma_wait3A_206 = arith.constant 0 : i32
        %dma_wait3A_207 = arith.constant 0 : i32
        %dma_wait3A_208 = tpu.memref_slice %arg9[%dma_wait3A_206, %dma_wait3A_207] : memref<10240x8xf32, #tpu.memory_space<vmem_shared>> -> memref<10240x8xf32, #tpu.memory_space<vmem_shared>>
        tpu.wait_indirect_dma semaphore(%run_scoped3A_188 : memref<!tpu.dma_semaphore, #tpu.memory_space<semaphore_mem>>) src(%dma_wait3A_202 : memref<128x8xf32, #tpu.memory_space<vmem>>) dst(%dma_wait3A_208 : memref<10240x8xf32, #tpu.memory_space<vmem_shared>>)
        tpu.yield
      }) : () -> ()
      %add3A_117 = arith.constant 4 : i32
      %add3A_118 = arith.addi %add3A_105, %add3A_117 : i32
      %lt3A = arith.cmpi slt, %add3A_118, %select_n3A_8 : i32
      %convert_element_type3A_119 = arith.extui %lt3A : i1 to i32
      %cond3A_120 = arith.constant 0 : i32
      %cond3A_121 = arith.cmpi ne, %convert_element_type3A_119, %cond3A_120 : i32
      scf.if %cond3A_121 {
        %dma_start3A_188 = arith.constant 0 : i32
        %dma_start3A_189 = arith.constant 0 : i32
        %dma_start3A_190 = arith.constant 0 : i32
        %dma_start3A_191 = tpu.memref_slice %arg8[%dma_start3A_188, %dma_start3A_189, %dma_start3A_190] : memref<4x128x8xf32, #tpu.memory_space<vmem>> -> memref<1x128x8xf32, #tpu.memory_space<vmem>>
        %dma_start3A_192 = tpu.memref_squeeze %dma_start3A_191 : memref<1x128x8xf32, #tpu.memory_space<vmem>> -> memref<128x8xf32, #tpu.memory_space<vmem>>
        %dma_start3A_193 = arith.constant 0 : i32
        %dma_start3A_194 = tpu.memref_slice %arg6[%add3A_118, %dma_start3A_193] : memref<52x128xi32, #tpu.memory_space<vmem>> -> memref<1x128xi32, #tpu.memory_space<vmem>>
        %dma_start3A_195 = tpu.memref_squeeze %dma_start3A_194 : memref<1x128xi32, #tpu.memory_space<vmem>> -> memref<128xi32, #tpu.memory_space<vmem>>
        %dma_start3A_196 = arith.constant 0 : i32
        %dma_start3A_197 = arith.constant 0 : i32
        %dma_start3A_198 = tpu.memref_slice %arg2[%dma_start3A_196, %dma_start3A_197] : memref<10240x8xf32, #tpu.memory_space<hbm>> -> memref<10240x8xf32, #tpu.memory_space<hbm>>
        tpu.enqueue_indirect_dma source(%dma_start3A_198 : memref<10240x8xf32, #tpu.memory_space<hbm>>) target(%dma_start3A_192 : memref<128x8xf32, #tpu.memory_space<vmem>>) offsets(%dma_start3A_195 : memref<128xi32, #tpu.memory_space<vmem>>) semaphore(%arg10 : memref<!tpu.dma_semaphore, #tpu.memory_space<semaphore_mem>>)
      } else {
      }
      %mul3A_122 = arith.constant 4 : i32
      %mul3A_123 = arith.muli %while3A_101, %mul3A_122 : i32
      %add3A_124 = arith.constant 1 : i32
      %add3A_125 = arith.addi %mul3A_123, %add3A_124 : i32
      %dma_wait3A_126 = arith.constant 1 : i32
      %dma_wait3A_127 = arith.constant 0 : i32
      %dma_wait3A_128 = arith.constant 0 : i32
      %dma_wait3A_129 = tpu.memref_slice %arg8[%dma_wait3A_126, %dma_wait3A_127, %dma_wait3A_128] : memref<4x128x8xf32, #tpu.memory_space<vmem>> -> memref<1x128x8xf32, #tpu.memory_space<vmem>>
      %dma_wait3A_130 = tpu.memref_squeeze %dma_wait3A_129 : memref<1x128x8xf32, #tpu.memory_space<vmem>> -> memref<128x8xf32, #tpu.memory_space<vmem>>
      %dma_wait3A_131 = arith.constant 0 : i32
      %dma_wait3A_132 = tpu.memref_slice %arg6[%add3A_125, %dma_wait3A_131] : memref<52x128xi32, #tpu.memory_space<vmem>> -> memref<1x128xi32, #tpu.memory_space<vmem>>
      %dma_wait3A_133 = tpu.memref_squeeze %dma_wait3A_132 : memref<1x128xi32, #tpu.memory_space<vmem>> -> memref<128xi32, #tpu.memory_space<vmem>>
      %dma_wait3A_134 = arith.constant 0 : i32
      %dma_wait3A_135 = arith.constant 0 : i32
      %dma_wait3A_136 = tpu.memref_slice %arg2[%dma_wait3A_134, %dma_wait3A_135] : memref<10240x8xf32, #tpu.memory_space<hbm>> -> memref<10240x8xf32, #tpu.memory_space<hbm>>
      tpu.wait_indirect_dma semaphore(%arg11 : memref<!tpu.dma_semaphore, #tpu.memory_space<semaphore_mem>>) src(%dma_wait3A_136 : memref<10240x8xf32, #tpu.memory_space<hbm>>) dst(%dma_wait3A_130 : memref<128x8xf32, #tpu.memory_space<vmem>>)
      %run_scoped3A_137 = arith.constant 1 : i32
      "tpu.region"() ({
        %run_scoped3A_188 = tpu.sem_alloc : memref<!tpu.dma_semaphore, #tpu.memory_space<semaphore_mem>>
        %dma_start3A_189 = arith.constant 0 : i32
        %dma_start3A_190 = arith.constant 0 : i32
        %dma_start3A_191 = tpu.memref_slice %arg8[%run_scoped3A_137, %dma_start3A_189, %dma_start3A_190] : memref<4x128x8xf32, #tpu.memory_space<vmem>> -> memref<1x128x8xf32, #tpu.memory_space<vmem>>
        %dma_start3A_192 = tpu.memref_squeeze %dma_start3A_191 : memref<1x128x8xf32, #tpu.memory_space<vmem>> -> memref<128x8xf32, #tpu.memory_space<vmem>>
        %dma_start3A_193 = arith.constant 0 : i32
        %dma_start3A_194 = tpu.memref_slice %arg7[%add3A_125, %dma_start3A_193] : memref<52x128xi32, #tpu.memory_space<vmem>> -> memref<1x128xi32, #tpu.memory_space<vmem>>
        %dma_start3A_195 = tpu.memref_squeeze %dma_start3A_194 : memref<1x128xi32, #tpu.memory_space<vmem>> -> memref<128xi32, #tpu.memory_space<vmem>>
        %dma_start3A_196 = arith.constant 0 : i32
        %dma_start3A_197 = arith.constant 0 : i32
        %dma_start3A_198 = tpu.memref_slice %arg9[%dma_start3A_196, %dma_start3A_197] : memref<10240x8xf32, #tpu.memory_space<vmem_shared>> -> memref<10240x8xf32, #tpu.memory_space<vmem_shared>>
        tpu.enqueue_indirect_dma source(%dma_start3A_192 : memref<128x8xf32, #tpu.memory_space<vmem>>) target(%dma_start3A_198 : memref<10240x8xf32, #tpu.memory_space<vmem_shared>>) offsets(%dma_start3A_195 : memref<128xi32, #tpu.memory_space<vmem>>) semaphore(%run_scoped3A_188 : memref<!tpu.dma_semaphore, #tpu.memory_space<semaphore_mem>>) {add = true}
        %dma_wait3A_199 = arith.constant 0 : i32
        %dma_wait3A_200 = arith.constant 0 : i32
        %dma_wait3A_201 = tpu.memref_slice %arg8[%run_scoped3A_137, %dma_wait3A_199, %dma_wait3A_200] : memref<4x128x8xf32, #tpu.memory_space<vmem>> -> memref<1x128x8xf32, #tpu.memory_space<vmem>>
        %dma_wait3A_202 = tpu.memref_squeeze %dma_wait3A_201 : memref<1x128x8xf32, #tpu.memory_space<vmem>> -> memref<128x8xf32, #tpu.memory_space<vmem>>
        %dma_wait3A_203 = arith.constant 0 : i32
        %dma_wait3A_204 = tpu.memref_slice %arg7[%add3A_125, %dma_wait3A_203] : memref<52x128xi32, #tpu.memory_space<vmem>> -> memref<1x128xi32, #tpu.memory_space<vmem>>
        %dma_wait3A_205 = tpu.memref_squeeze %dma_wait3A_204 : memref<1x128xi32, #tpu.memory_space<vmem>> -> memref<128xi32, #tpu.memory_space<vmem>>
        %dma_wait3A_206 = arith.constant 0 : i32
        %dma_wait3A_207 = arith.constant 0 : i32
        %dma_wait3A_208 = tpu.memref_slice %arg9[%dma_wait3A_206, %dma_wait3A_207] : memref<10240x8xf32, #tpu.memory_space<vmem_shared>> -> memref<10240x8xf32, #tpu.memory_space<vmem_shared>>
        tpu.wait_indirect_dma semaphore(%run_scoped3A_188 : memref<!tpu.dma_semaphore, #tpu.memory_space<semaphore_mem>>) src(%dma_wait3A_202 : memref<128x8xf32, #tpu.memory_space<vmem>>) dst(%dma_wait3A_208 : memref<10240x8xf32, #tpu.memory_space<vmem_shared>>)
        tpu.yield
      }) : () -> ()
      %add3A_138 = arith.constant 4 : i32
      %add3A_139 = arith.addi %add3A_125, %add3A_138 : i32
      %lt3A_140 = arith.cmpi slt, %add3A_139, %select_n3A_8 : i32
      %convert_element_type3A_141 = arith.extui %lt3A_140 : i1 to i32
      %cond3A_142 = arith.constant 0 : i32
      %cond3A_143 = arith.cmpi ne, %convert_element_type3A_141, %cond3A_142 : i32
      scf.if %cond3A_143 {
        %dma_start3A_188 = arith.constant 1 : i32
        %dma_start3A_189 = arith.constant 0 : i32
        %dma_start3A_190 = arith.constant 0 : i32
        %dma_start3A_191 = tpu.memref_slice %arg8[%dma_start3A_188, %dma_start3A_189, %dma_start3A_190] : memref<4x128x8xf32, #tpu.memory_space<vmem>> -> memref<1x128x8xf32, #tpu.memory_space<vmem>>
        %dma_start3A_192 = tpu.memref_squeeze %dma_start3A_191 : memref<1x128x8xf32, #tpu.memory_space<vmem>> -> memref<128x8xf32, #tpu.memory_space<vmem>>
        %dma_start3A_193 = arith.constant 0 : i32
        %dma_start3A_194 = tpu.memref_slice %arg6[%add3A_139, %dma_start3A_193] : memref<52x128xi32, #tpu.memory_space<vmem>> -> memref<1x128xi32, #tpu.memory_space<vmem>>
        %dma_start3A_195 = tpu.memref_squeeze %dma_start3A_194 : memref<1x128xi32, #tpu.memory_space<vmem>> -> memref<128xi32, #tpu.memory_space<vmem>>
        %dma_start3A_196 = arith.constant 0 : i32
        %dma_start3A_197 = arith.constant 0 : i32
        %dma_start3A_198 = tpu.memref_slice %arg2[%dma_start3A_196, %dma_start3A_197] : memref<10240x8xf32, #tpu.memory_space<hbm>> -> memref<10240x8xf32, #tpu.memory_space<hbm>>
        tpu.enqueue_indirect_dma source(%dma_start3A_198 : memref<10240x8xf32, #tpu.memory_space<hbm>>) target(%dma_start3A_192 : memref<128x8xf32, #tpu.memory_space<vmem>>) offsets(%dma_start3A_195 : memref<128xi32, #tpu.memory_space<vmem>>) semaphore(%arg11 : memref<!tpu.dma_semaphore, #tpu.memory_space<semaphore_mem>>)
      } else {
      }
      %mul3A_144 = arith.constant 4 : i32
      %mul3A_145 = arith.muli %while3A_101, %mul3A_144 : i32
      %add3A_146 = arith.constant 2 : i32
      %add3A_147 = arith.addi %mul3A_145, %add3A_146 : i32
      %dma_wait3A_148 = arith.constant 2 : i32
      %dma_wait3A_149 = arith.constant 0 : i32
      %dma_wait3A_150 = arith.constant 0 : i32
      %dma_wait3A_151 = tpu.memref_slice %arg8[%dma_wait3A_148, %dma_wait3A_149, %dma_wait3A_150] : memref<4x128x8xf32, #tpu.memory_space<vmem>> -> memref<1x128x8xf32, #tpu.memory_space<vmem>>
      %dma_wait3A_152 = tpu.memref_squeeze %dma_wait3A_151 : memref<1x128x8xf32, #tpu.memory_space<vmem>> -> memref<128x8xf32, #tpu.memory_space<vmem>>
      %dma_wait3A_153 = arith.constant 0 : i32
      %dma_wait3A_154 = tpu.memref_slice %arg6[%add3A_147, %dma_wait3A_153] : memref<52x128xi32, #tpu.memory_space<vmem>> -> memref<1x128xi32, #tpu.memory_space<vmem>>
      %dma_wait3A_155 = tpu.memref_squeeze %dma_wait3A_154 : memref<1x128xi32, #tpu.memory_space<vmem>> -> memref<128xi32, #tpu.memory_space<vmem>>
      %dma_wait3A_156 = arith.constant 0 : i32
      %dma_wait3A_157 = arith.constant 0 : i32
      %dma_wait3A_158 = tpu.memref_slice %arg2[%dma_wait3A_156, %dma_wait3A_157] : memref<10240x8xf32, #tpu.memory_space<hbm>> -> memref<10240x8xf32, #tpu.memory_space<hbm>>
      tpu.wait_indirect_dma semaphore(%arg12 : memref<!tpu.dma_semaphore, #tpu.memory_space<semaphore_mem>>) src(%dma_wait3A_158 : memref<10240x8xf32, #tpu.memory_space<hbm>>) dst(%dma_wait3A_152 : memref<128x8xf32, #tpu.memory_space<vmem>>)
      %run_scoped3A_159 = arith.constant 2 : i32
      "tpu.region"() ({
        %run_scoped3A_188 = tpu.sem_alloc : memref<!tpu.dma_semaphore, #tpu.memory_space<semaphore_mem>>
        %dma_start3A_189 = arith.constant 0 : i32
        %dma_start3A_190 = arith.constant 0 : i32
        %dma_start3A_191 = tpu.memref_slice %arg8[%run_scoped3A_159, %dma_start3A_189, %dma_start3A_190] : memref<4x128x8xf32, #tpu.memory_space<vmem>> -> memref<1x128x8xf32, #tpu.memory_space<vmem>>
        %dma_start3A_192 = tpu.memref_squeeze %dma_start3A_191 : memref<1x128x8xf32, #tpu.memory_space<vmem>> -> memref<128x8xf32, #tpu.memory_space<vmem>>
        %dma_start3A_193 = arith.constant 0 : i32
        %dma_start3A_194 = tpu.memref_slice %arg7[%add3A_147, %dma_start3A_193] : memref<52x128xi32, #tpu.memory_space<vmem>> -> memref<1x128xi32, #tpu.memory_space<vmem>>
        %dma_start3A_195 = tpu.memref_squeeze %dma_start3A_194 : memref<1x128xi32, #tpu.memory_space<vmem>> -> memref<128xi32, #tpu.memory_space<vmem>>
        %dma_start3A_196 = arith.constant 0 : i32
        %dma_start3A_197 = arith.constant 0 : i32
        %dma_start3A_198 = tpu.memref_slice %arg9[%dma_start3A_196, %dma_start3A_197] : memref<10240x8xf32, #tpu.memory_space<vmem_shared>> -> memref<10240x8xf32, #tpu.memory_space<vmem_shared>>
        tpu.enqueue_indirect_dma source(%dma_start3A_192 : memref<128x8xf32, #tpu.memory_space<vmem>>) target(%dma_start3A_198 : memref<10240x8xf32, #tpu.memory_space<vmem_shared>>) offsets(%dma_start3A_195 : memref<128xi32, #tpu.memory_space<vmem>>) semaphore(%run_scoped3A_188 : memref<!tpu.dma_semaphore, #tpu.memory_space<semaphore_mem>>) {add = true}
        %dma_wait3A_199 = arith.constant 0 : i32
        %dma_wait3A_200 = arith.constant 0 : i32
        %dma_wait3A_201 = tpu.memref_slice %arg8[%run_scoped3A_159, %dma_wait3A_199, %dma_wait3A_200] : memref<4x128x8xf32, #tpu.memory_space<vmem>> -> memref<1x128x8xf32, #tpu.memory_space<vmem>>
        %dma_wait3A_202 = tpu.memref_squeeze %dma_wait3A_201 : memref<1x128x8xf32, #tpu.memory_space<vmem>> -> memref<128x8xf32, #tpu.memory_space<vmem>>
        %dma_wait3A_203 = arith.constant 0 : i32
        %dma_wait3A_204 = tpu.memref_slice %arg7[%add3A_147, %dma_wait3A_203] : memref<52x128xi32, #tpu.memory_space<vmem>> -> memref<1x128xi32, #tpu.memory_space<vmem>>
        %dma_wait3A_205 = tpu.memref_squeeze %dma_wait3A_204 : memref<1x128xi32, #tpu.memory_space<vmem>> -> memref<128xi32, #tpu.memory_space<vmem>>
        %dma_wait3A_206 = arith.constant 0 : i32
        %dma_wait3A_207 = arith.constant 0 : i32
        %dma_wait3A_208 = tpu.memref_slice %arg9[%dma_wait3A_206, %dma_wait3A_207] : memref<10240x8xf32, #tpu.memory_space<vmem_shared>> -> memref<10240x8xf32, #tpu.memory_space<vmem_shared>>
        tpu.wait_indirect_dma semaphore(%run_scoped3A_188 : memref<!tpu.dma_semaphore, #tpu.memory_space<semaphore_mem>>) src(%dma_wait3A_202 : memref<128x8xf32, #tpu.memory_space<vmem>>) dst(%dma_wait3A_208 : memref<10240x8xf32, #tpu.memory_space<vmem_shared>>)
        tpu.yield
      }) : () -> ()
      %add3A_160 = arith.constant 4 : i32
      %add3A_161 = arith.addi %add3A_147, %add3A_160 : i32
      %lt3A_162 = arith.cmpi slt, %add3A_161, %select_n3A_8 : i32
      %convert_element_type3A_163 = arith.extui %lt3A_162 : i1 to i32
      %cond3A_164 = arith.constant 0 : i32
      %cond3A_165 = arith.cmpi ne, %convert_element_type3A_163, %cond3A_164 : i32
      scf.if %cond3A_165 {
        %dma_start3A_188 = arith.constant 2 : i32
        %dma_start3A_189 = arith.constant 0 : i32
        %dma_start3A_190 = arith.constant 0 : i32
        %dma_start3A_191 = tpu.memref_slice %arg8[%dma_start3A_188, %dma_start3A_189, %dma_start3A_190] : memref<4x128x8xf32, #tpu.memory_space<vmem>> -> memref<1x128x8xf32, #tpu.memory_space<vmem>>
        %dma_start3A_192 = tpu.memref_squeeze %dma_start3A_191 : memref<1x128x8xf32, #tpu.memory_space<vmem>> -> memref<128x8xf32, #tpu.memory_space<vmem>>
        %dma_start3A_193 = arith.constant 0 : i32
        %dma_start3A_194 = tpu.memref_slice %arg6[%add3A_161, %dma_start3A_193] : memref<52x128xi32, #tpu.memory_space<vmem>> -> memref<1x128xi32, #tpu.memory_space<vmem>>
        %dma_start3A_195 = tpu.memref_squeeze %dma_start3A_194 : memref<1x128xi32, #tpu.memory_space<vmem>> -> memref<128xi32, #tpu.memory_space<vmem>>
        %dma_start3A_196 = arith.constant 0 : i32
        %dma_start3A_197 = arith.constant 0 : i32
        %dma_start3A_198 = tpu.memref_slice %arg2[%dma_start3A_196, %dma_start3A_197] : memref<10240x8xf32, #tpu.memory_space<hbm>> -> memref<10240x8xf32, #tpu.memory_space<hbm>>
        tpu.enqueue_indirect_dma source(%dma_start3A_198 : memref<10240x8xf32, #tpu.memory_space<hbm>>) target(%dma_start3A_192 : memref<128x8xf32, #tpu.memory_space<vmem>>) offsets(%dma_start3A_195 : memref<128xi32, #tpu.memory_space<vmem>>) semaphore(%arg12 : memref<!tpu.dma_semaphore, #tpu.memory_space<semaphore_mem>>)
      } else {
      }
      %mul3A_166 = arith.constant 4 : i32
      %mul3A_167 = arith.muli %while3A_101, %mul3A_166 : i32
      %add3A_168 = arith.constant 3 : i32
      %add3A_169 = arith.addi %mul3A_167, %add3A_168 : i32
      %dma_wait3A_170 = arith.constant 3 : i32
      %dma_wait3A_171 = arith.constant 0 : i32
      %dma_wait3A_172 = arith.constant 0 : i32
      %dma_wait3A_173 = tpu.memref_slice %arg8[%dma_wait3A_170, %dma_wait3A_171, %dma_wait3A_172] : memref<4x128x8xf32, #tpu.memory_space<vmem>> -> memref<1x128x8xf32, #tpu.memory_space<vmem>>
      %dma_wait3A_174 = tpu.memref_squeeze %dma_wait3A_173 : memref<1x128x8xf32, #tpu.memory_space<vmem>> -> memref<128x8xf32, #tpu.memory_space<vmem>>
      %dma_wait3A_175 = arith.constant 0 : i32
      %dma_wait3A_176 = tpu.memref_slice %arg6[%add3A_169, %dma_wait3A_175] : memref<52x128xi32, #tpu.memory_space<vmem>> -> memref<1x128xi32, #tpu.memory_space<vmem>>
      %dma_wait3A_177 = tpu.memref_squeeze %dma_wait3A_176 : memref<1x128xi32, #tpu.memory_space<vmem>> -> memref<128xi32, #tpu.memory_space<vmem>>
      %dma_wait3A_178 = arith.constant 0 : i32
      %dma_wait3A_179 = arith.constant 0 : i32
      %dma_wait3A_180 = tpu.memref_slice %arg2[%dma_wait3A_178, %dma_wait3A_179] : memref<10240x8xf32, #tpu.memory_space<hbm>> -> memref<10240x8xf32, #tpu.memory_space<hbm>>
      tpu.wait_indirect_dma semaphore(%arg13 : memref<!tpu.dma_semaphore, #tpu.memory_space<semaphore_mem>>) src(%dma_wait3A_180 : memref<10240x8xf32, #tpu.memory_space<hbm>>) dst(%dma_wait3A_174 : memref<128x8xf32, #tpu.memory_space<vmem>>)
      %run_scoped3A_181 = arith.constant 3 : i32
      "tpu.region"() ({
        %run_scoped3A_188 = tpu.sem_alloc : memref<!tpu.dma_semaphore, #tpu.memory_space<semaphore_mem>>
        %dma_start3A_189 = arith.constant 0 : i32
        %dma_start3A_190 = arith.constant 0 : i32
        %dma_start3A_191 = tpu.memref_slice %arg8[%run_scoped3A_181, %dma_start3A_189, %dma_start3A_190] : memref<4x128x8xf32, #tpu.memory_space<vmem>> -> memref<1x128x8xf32, #tpu.memory_space<vmem>>
        %dma_start3A_192 = tpu.memref_squeeze %dma_start3A_191 : memref<1x128x8xf32, #tpu.memory_space<vmem>> -> memref<128x8xf32, #tpu.memory_space<vmem>>
        %dma_start3A_193 = arith.constant 0 : i32
        %dma_start3A_194 = tpu.memref_slice %arg7[%add3A_169, %dma_start3A_193] : memref<52x128xi32, #tpu.memory_space<vmem>> -> memref<1x128xi32, #tpu.memory_space<vmem>>
        %dma_start3A_195 = tpu.memref_squeeze %dma_start3A_194 : memref<1x128xi32, #tpu.memory_space<vmem>> -> memref<128xi32, #tpu.memory_space<vmem>>
        %dma_start3A_196 = arith.constant 0 : i32
        %dma_start3A_197 = arith.constant 0 : i32
        %dma_start3A_198 = tpu.memref_slice %arg9[%dma_start3A_196, %dma_start3A_197] : memref<10240x8xf32, #tpu.memory_space<vmem_shared>> -> memref<10240x8xf32, #tpu.memory_space<vmem_shared>>
        tpu.enqueue_indirect_dma source(%dma_start3A_192 : memref<128x8xf32, #tpu.memory_space<vmem>>) target(%dma_start3A_198 : memref<10240x8xf32, #tpu.memory_space<vmem_shared>>) offsets(%dma_start3A_195 : memref<128xi32, #tpu.memory_space<vmem>>) semaphore(%run_scoped3A_188 : memref<!tpu.dma_semaphore, #tpu.memory_space<semaphore_mem>>) {add = true}
        %dma_wait3A_199 = arith.constant 0 : i32
        %dma_wait3A_200 = arith.constant 0 : i32
        %dma_wait3A_201 = tpu.memref_slice %arg8[%run_scoped3A_181, %dma_wait3A_199, %dma_wait3A_200] : memref<4x128x8xf32, #tpu.memory_space<vmem>> -> memref<1x128x8xf32, #tpu.memory_space<vmem>>
        %dma_wait3A_202 = tpu.memref_squeeze %dma_wait3A_201 : memref<1x128x8xf32, #tpu.memory_space<vmem>> -> memref<128x8xf32, #tpu.memory_space<vmem>>
        %dma_wait3A_203 = arith.constant 0 : i32
        %dma_wait3A_204 = tpu.memref_slice %arg7[%add3A_169, %dma_wait3A_203] : memref<52x128xi32, #tpu.memory_space<vmem>> -> memref<1x128xi32, #tpu.memory_space<vmem>>
        %dma_wait3A_205 = tpu.memref_squeeze %dma_wait3A_204 : memref<1x128xi32, #tpu.memory_space<vmem>> -> memref<128xi32, #tpu.memory_space<vmem>>
        %dma_wait3A_206 = arith.constant 0 : i32
        %dma_wait3A_207 = arith.constant 0 : i32
        %dma_wait3A_208 = tpu.memref_slice %arg9[%dma_wait3A_206, %dma_wait3A_207] : memref<10240x8xf32, #tpu.memory_space<vmem_shared>> -> memref<10240x8xf32, #tpu.memory_space<vmem_shared>>
        tpu.wait_indirect_dma semaphore(%run_scoped3A_188 : memref<!tpu.dma_semaphore, #tpu.memory_space<semaphore_mem>>) src(%dma_wait3A_202 : memref<128x8xf32, #tpu.memory_space<vmem>>) dst(%dma_wait3A_208 : memref<10240x8xf32, #tpu.memory_space<vmem_shared>>)
        tpu.yield
      }) : () -> ()
      %add3A_182 = arith.constant 4 : i32
      %add3A_183 = arith.addi %add3A_169, %add3A_182 : i32
      %lt3A_184 = arith.cmpi slt, %add3A_183, %select_n3A_8 : i32
      %convert_element_type3A_185 = arith.extui %lt3A_184 : i1 to i32
      %cond3A_186 = arith.constant 0 : i32
      %cond3A_187 = arith.cmpi ne, %convert_element_type3A_185, %cond3A_186 : i32
      scf.if %cond3A_187 {
        %dma_start3A_188 = arith.constant 3 : i32
        %dma_start3A_189 = arith.constant 0 : i32
        %dma_start3A_190 = arith.constant 0 : i32
        %dma_start3A_191 = tpu.memref_slice %arg8[%dma_start3A_188, %dma_start3A_189, %dma_start3A_190] : memref<4x128x8xf32, #tpu.memory_space<vmem>> -> memref<1x128x8xf32, #tpu.memory_space<vmem>>
        %dma_start3A_192 = tpu.memref_squeeze %dma_start3A_191 : memref<1x128x8xf32, #tpu.memory_space<vmem>> -> memref<128x8xf32, #tpu.memory_space<vmem>>
        %dma_start3A_193 = arith.constant 0 : i32
        %dma_start3A_194 = tpu.memref_slice %arg6[%add3A_183, %dma_start3A_193] : memref<52x128xi32, #tpu.memory_space<vmem>> -> memref<1x128xi32, #tpu.memory_space<vmem>>
        %dma_start3A_195 = tpu.memref_squeeze %dma_start3A_194 : memref<1x128xi32, #tpu.memory_space<vmem>> -> memref<128xi32, #tpu.memory_space<vmem>>
        %dma_start3A_196 = arith.constant 0 : i32
        %dma_start3A_197 = arith.constant 0 : i32
        %dma_start3A_198 = tpu.memref_slice %arg2[%dma_start3A_196, %dma_start3A_197] : memref<10240x8xf32, #tpu.memory_space<hbm>> -> memref<10240x8xf32, #tpu.memory_space<hbm>>
        tpu.enqueue_indirect_dma source(%dma_start3A_198 : memref<10240x8xf32, #tpu.memory_space<hbm>>) target(%dma_start3A_192 : memref<128x8xf32, #tpu.memory_space<vmem>>) offsets(%dma_start3A_195 : memref<128xi32, #tpu.memory_space<vmem>>) semaphore(%arg13 : memref<!tpu.dma_semaphore, #tpu.memory_space<semaphore_mem>>)
      } else {
      }
    }
    %barrier3A_96 = arith.constant 0 : index
    tpu.barrier barrier_id(%barrier3A_96)
    %mul3A_97 = arith.constant 640 : i32
    %mul3A_98 = arith.muli %arg1, %mul3A_97 : i32
    %mul3A_99 = arith.constant 640 : i32
    %mul3A_100 = arith.muli %arg1, %mul3A_99 : i32
    "tpu.region"() ({
      %run_scoped3A_101 = tpu.sem_alloc : memref<!tpu.dma_semaphore, #tpu.memory_space<semaphore_mem>>
      %dma_start3A_102 = arith.constant 0 : i32
      %dma_start3A_103 = tpu.memref_slice %arg5[%arg0, %mul3A_100, %dma_start3A_102] : memref<2x10240x8xf32, #tpu.memory_space<hbm>> -> memref<1x640x8xf32, #tpu.memory_space<hbm>>
      %dma_start3A_104 = tpu.memref_squeeze %dma_start3A_103 : memref<1x640x8xf32, #tpu.memory_space<hbm>> -> memref<640x8xf32, #tpu.memory_space<hbm>>
      %dma_start3A_105 = arith.constant 0 : i32
      %dma_start3A_106 = tpu.memref_slice %arg9[%mul3A_98, %dma_start3A_105] : memref<10240x8xf32, #tpu.memory_space<vmem_shared>> -> memref<640x8xf32, #tpu.memory_space<vmem_shared>>
      tpu.enqueue_dma source(%dma_start3A_106 : memref<640x8xf32, #tpu.memory_space<vmem_shared>>) target(%dma_start3A_104 : memref<640x8xf32, #tpu.memory_space<hbm>>) target_semaphore(%run_scoped3A_101 : memref<!tpu.dma_semaphore, #tpu.memory_space<semaphore_mem>>)
      %dma_wait3A = arith.constant 0 : i32
      %dma_wait3A_107 = tpu.memref_slice %arg5[%arg0, %mul3A_100, %dma_wait3A] : memref<2x10240x8xf32, #tpu.memory_space<hbm>> -> memref<1x640x8xf32, #tpu.memory_space<hbm>>
      %dma_wait3A_108 = tpu.memref_squeeze %dma_wait3A_107 : memref<1x640x8xf32, #tpu.memory_space<hbm>> -> memref<640x8xf32, #tpu.memory_space<hbm>>
      %dma_wait3A_109 = arith.constant 0 : i32
      %dma_wait3A_110 = tpu.memref_slice %arg9[%mul3A_98, %dma_wait3A_109] : memref<10240x8xf32, #tpu.memory_space<vmem_shared>> -> memref<640x8xf32, #tpu.memory_space<vmem_shared>>
      tpu.wait_dma2 semaphore(%run_scoped3A_101 : memref<!tpu.dma_semaphore, #tpu.memory_space<semaphore_mem>>) src(%dma_wait3A_110 : memref<640x8xf32, #tpu.memory_space<vmem_shared>>) dst(%dma_wait3A_108 : memref<640x8xf32, #tpu.memory_space<hbm>>)
      tpu.yield
    }) : () -> ()
    return
  }
}

module attributes {stable_mosaic.version = 14 : i64} {
  func.func @_mmscale_body(%arg0: i32, %arg1: memref<1024x256xf32, #tpu.memory_space<vmem>>, %arg2: memref<256x8xf32, #tpu.memory_space<vmem>>, %arg3: memref<2x1024xf32, #tpu.memory_space<vmem>>, %arg4: memref<1024x8xf32, #tpu.memory_space<vmem>>) attributes {dimension_semantics = [#tpu.dimension_semantics<arbitrary>], iteration_bounds = array<i64: 10>, scalar_prefetch = 0 : i64, scratch_operands = 0 : i64, tpu.core_type = #tpu.core_type<tc>, window_params = [{transform_indices = @transform_0, window_bounds = array<i64: 1024, 256>}, {pipeline_mode = #tpu.pipeline_mode<synchronous>, transform_indices = @transform_1, window_bounds = array<i64: 256, 8>}, {transform_indices = @transform_2, window_bounds = array<i64: 2, 1024>}, {transform_indices = @transform_3, window_bounds = array<i64: 1024, 8>}]} {
    %get3A = arith.constant 0 : index
    %get3A_0 = arith.constant 0 : index
    %get3A_1 = vector.load %arg1[%get3A, %get3A_0] : memref<1024x256xf32, #tpu.memory_space<vmem>>, vector<1024x256xf32>
    %convert_element_type3A = arith.truncf %get3A_1 : vector<1024x256xf32> to vector<1024x256xbf16>
    %get3A_2 = arith.constant 0 : index
    %get3A_3 = arith.constant 0 : index
    %get3A_4 = vector.load %arg2[%get3A_2, %get3A_3] : memref<256x8xf32, #tpu.memory_space<vmem>>, vector<256x8xf32>
    %convert_element_type3A_5 = arith.truncf %get3A_4 : vector<256x8xf32> to vector<256x8xbf16>
    %dot_general3A = arith.constant dense<0.000000e+00> : vector<1024x8xf32>
    %dot_general3A_6 = tpu.matmul %convert_element_type3A, %convert_element_type3A_5, %dot_general3A {dimension_numbers = #tpu.dot_dimension_numbers<[1], [0], [0], [1], [0, 0, 1, 1], [], []>, transpose_lhs_hint = false} : vector<1024x256xbf16>, vector<256x8xbf16>, vector<1024x8xf32> -> vector<1024x8xf32>
    %get3A_7 = arith.constant 0 : index
    %get3A_8 = arith.constant 0 : index
    %get3A_9 = vector.load %arg3[%get3A_7, %get3A_8] : memref<2x1024xf32, #tpu.memory_space<vmem>>, vector<1x1024xf32>
    %get3A_10 = vector.shape_cast %get3A_9 : vector<1x1024xf32> to vector<1024xf32>
    %get3A_11 = arith.constant 1 : index
    %get3A_12 = arith.constant 0 : index
    %get3A_13 = vector.load %arg3[%get3A_11, %get3A_12] : memref<2x1024xf32, #tpu.memory_space<vmem>>, vector<1x1024xf32>
    %get3A_14 = vector.shape_cast %get3A_13 : vector<1x1024xf32> to vector<1024xf32>
    %add3A = arith.addf %get3A_10, %get3A_14 : vector<1024xf32>
    %rsqrt3A = math.rsqrt %add3A : vector<1024xf32>
    %broadcast_in_dim3A = vector.shape_cast %rsqrt3A : vector<1024xf32> to vector<1024x1xf32>
    %mul3A = vector.broadcast %broadcast_in_dim3A : vector<1024x1xf32> to vector<1024x8xf32>
    %mul3A_15 = arith.mulf %dot_general3A_6, %mul3A : vector<1024x8xf32>
    %swap3A = arith.constant 0 : index
    %swap3A_16 = arith.constant 0 : index
    %swap3A_17 = vector.load %arg4[%swap3A, %swap3A_16] : memref<1024x8xf32, #tpu.memory_space<vmem>>, vector<1024x8xf32>
    tpu.vector_store %arg4[%swap3A, %swap3A_16], %mul3A_15 {strides = array<i32>} : memref<1024x8xf32, #tpu.memory_space<vmem>>, vector<1024x8xf32>,
    return
  }
  func.func @transform_0(%arg0: i32) -> (i32, i32) {
    %c0_i32 = arith.constant 0 : i32
    %c0_i32_0 = arith.constant 0 : i32
    return %arg0, %c0_i32 : i32, i32
  }
  func.func @transform_1(%arg0: i32) -> (i32, i32) {
    %c0_i32 = arith.constant 0 : i32
    %c0_i32_0 = arith.constant 0 : i32
    %c0_i32_1 = arith.constant 0 : i32
    return %c0_i32, %c0_i32_0 : i32, i32
  }
  func.func @transform_2(%arg0: i32) -> (i32, i32) {
    %c0_i32 = arith.constant 0 : i32
    %c0_i32_0 = arith.constant 0 : i32
    return %c0_i32, %arg0 : i32, i32
  }
  func.func @transform_3(%arg0: i32) -> (i32, i32) {
    %c0_i32 = arith.constant 0 : i32
    %c0_i32_0 = arith.constant 0 : i32
    return %arg0, %c0_i32 : i32, i32
  }
}

module attributes {stable_mosaic.version = 14 : i64} {
  func.func @_headp_body(%arg0: i32, %arg1: memref<2x64x128xf32, #tpu.memory_space<vmem>>, %arg2: memref<2x64x16xf32, #tpu.memory_space<vmem>>, %arg3: memref<16x128xf32, #tpu.memory_space<vmem>>, %arg4: memref<1x128xf32, #tpu.memory_space<vmem>>, %arg5: memref<128x256xf32, #tpu.memory_space<vmem>>, %arg6: memref<1x256xf32, #tpu.memory_space<vmem>>, %arg7: memref<256x128xf32, #tpu.memory_space<vmem>>, %arg8: memref<1x128xf32, #tpu.memory_space<vmem>>, %arg9: memref<128x32xf32, #tpu.memory_space<vmem>>, %arg10: memref<1x32xf32, #tpu.memory_space<vmem>>, %arg11: memref<32x32xf32, #tpu.memory_space<vmem>>, %arg12: memref<64x32xf32, #tpu.memory_space<vmem>>) attributes {dimension_semantics = [#tpu.dimension_semantics<arbitrary>], iteration_bounds = array<i64: 10>, scalar_prefetch = 0 : i64, scratch_operands = 0 : i64, tpu.core_type = #tpu.core_type<tc>, window_params = [{transform_indices = @transform_0, window_bounds = array<i64: 2, 64, 128>}, {transform_indices = @transform_1, window_bounds = array<i64: 2, 64, 16>}, {pipeline_mode = #tpu.pipeline_mode<synchronous>, transform_indices = @transform_2, window_bounds = array<i64: 16, 128>}, {pipeline_mode = #tpu.pipeline_mode<synchronous>, transform_indices = @transform_3, window_bounds = array<i64: 1, 128>}, {pipeline_mode = #tpu.pipeline_mode<synchronous>, transform_indices = @transform_4, window_bounds = array<i64: 128, 256>}, {pipeline_mode = #tpu.pipeline_mode<synchronous>, transform_indices = @transform_5, window_bounds = array<i64: 1, 256>}, {pipeline_mode = #tpu.pipeline_mode<synchronous>, transform_indices = @transform_6, window_bounds = array<i64: 256, 128>}, {pipeline_mode = #tpu.pipeline_mode<synchronous>, transform_indices = @transform_7, window_bounds = array<i64: 1, 128>}, {pipeline_mode = #tpu.pipeline_mode<synchronous>, transform_indices = @transform_8, window_bounds = array<i64: 128, 32>}, {pipeline_mode = #tpu.pipeline_mode<synchronous>, transform_indices = @transform_9, window_bounds = array<i64: 1, 32>}, {pipeline_mode = #tpu.pipeline_mode<synchronous>, transform_indices = @transform_10, window_bounds = array<i64: 32, 32>}, {transform_indices = @transform_11, window_bounds = array<i64: 64, 32>}]} {
    %get3A = arith.constant 0 : index
    %get3A_0 = arith.constant 0 : index
    %get3A_1 = arith.constant 0 : index
    %get3A_2 = vector.load %arg2[%get3A, %get3A_0, %get3A_1] : memref<2x64x16xf32, #tpu.memory_space<vmem>>, vector<1x64x16xf32>
    %get3A_3 = vector.shape_cast %get3A_2 : vector<1x64x16xf32> to vector<64x16xf32>
    %get3A_4 = arith.constant 1 : index
    %get3A_5 = arith.constant 0 : index
    %get3A_6 = arith.constant 0 : index
    %get3A_7 = vector.load %arg2[%get3A_4, %get3A_5, %get3A_6] : memref<2x64x16xf32, #tpu.memory_space<vmem>>, vector<1x64x16xf32>
    %get3A_8 = vector.shape_cast %get3A_7 : vector<1x64x16xf32> to vector<64x16xf32>
    %add3A = arith.addf %get3A_3, %get3A_8 : vector<64x16xf32>
    %rsqrt3A = math.rsqrt %add3A : vector<64x16xf32>
    %get3A_9 = arith.constant 0 : index
    %get3A_10 = arith.constant 0 : index
    %get3A_11 = vector.load %arg3[%get3A_9, %get3A_10] : memref<16x128xf32, #tpu.memory_space<vmem>>, vector<16x128xf32>
    %dot_general3A = arith.constant dense<0.000000e+00> : vector<64x128xf32>
    %dot_general3A_12 = tpu.matmul %rsqrt3A, %get3A_11, %dot_general3A {dimension_numbers = #tpu.dot_dimension_numbers<[1], [0], [0], [1], [0, 0, 1, 1], [], []>, transpose_lhs_hint = false} : vector<64x16xf32>, vector<16x128xf32>, vector<64x128xf32> -> vector<64x128xf32>
    %get3A_13 = arith.constant 0 : index
    %get3A_14 = arith.constant 0 : index
    %get3A_15 = arith.constant 0 : index
    %get3A_16 = vector.load %arg1[%get3A_13, %get3A_14, %get3A_15] : memref<2x64x128xf32, #tpu.memory_space<vmem>>, vector<1x64x128xf32>
    %get3A_17 = vector.shape_cast %get3A_16 : vector<1x64x128xf32> to vector<64x128xf32>
    %get3A_18 = arith.constant 1 : index
    %get3A_19 = arith.constant 0 : index
    %get3A_20 = arith.constant 0 : index
    %get3A_21 = vector.load %arg1[%get3A_18, %get3A_19, %get3A_20] : memref<2x64x128xf32, #tpu.memory_space<vmem>>, vector<1x64x128xf32>
    %get3A_22 = vector.shape_cast %get3A_21 : vector<1x64x128xf32> to vector<64x128xf32>
    %add3A_23 = arith.addf %get3A_17, %get3A_22 : vector<64x128xf32>
    %mul3A = arith.mulf %dot_general3A_12, %add3A_23 : vector<64x128xf32>
    %get3A_24 = arith.constant 0 : index
    %get3A_25 = arith.constant 0 : index
    %get3A_26 = vector.load %arg4[%get3A_24, %get3A_25] : memref<1x128xf32, #tpu.memory_space<vmem>>, vector<1x128xf32>
    %add3A_27 = vector.broadcast %get3A_26 : vector<1x128xf32> to vector<64x128xf32>
    %add3A_28 = arith.addf %mul3A, %add3A_27 : vector<64x128xf32>
    %gt3A = arith.constant 0.000000e+00 : f32
    %gt3A_29 = vector.broadcast %gt3A : f32 to vector<64x128xf32>
    %gt3A_30 = arith.cmpf ogt, %add3A_28, %gt3A_29 : vector<64x128xf32>
    %min3A = arith.constant 0.000000e+00 : f32
    %min3A_31 = vector.broadcast %min3A : f32 to vector<64x128xf32>
    %min3A_32 = arith.minimumf %add3A_28, %min3A_31 : vector<64x128xf32>
    %exp3A = math.exp %min3A_32 : vector<64x128xf32>
    %sub3A = arith.constant 1.000000e+00 : f32
    %sub3A_33 = vector.broadcast %sub3A : f32 to vector<64x128xf32>
    %sub3A_34 = arith.subf %exp3A, %sub3A_33 : vector<64x128xf32>
    %select_n3A = arith.select %gt3A_30, %add3A_28, %sub3A_34 : vector<64x128xi1>, vector<64x128xf32>
    %get3A_35 = arith.constant 0 : index
    %get3A_36 = arith.constant 0 : index
    %get3A_37 = vector.load %arg5[%get3A_35, %get3A_36] : memref<128x256xf32, #tpu.memory_space<vmem>>, vector<128x256xf32>
    %dot_general3A_38 = arith.constant dense<0.000000e+00> : vector<64x256xf32>
    %dot_general3A_39 = tpu.matmul %select_n3A, %get3A_37, %dot_general3A_38 {dimension_numbers = #tpu.dot_dimension_numbers<[1], [0], [0], [1], [0, 0, 1, 1], [], []>, transpose_lhs_hint = false} : vector<64x128xf32>, vector<128x256xf32>, vector<64x256xf32> -> vector<64x256xf32>
    %get3A_40 = arith.constant 0 : index
    %get3A_41 = arith.constant 0 : index
    %get3A_42 = vector.load %arg6[%get3A_40, %get3A_41] : memref<1x256xf32, #tpu.memory_space<vmem>>, vector<1x256xf32>
    %add3A_43 = vector.broadcast %get3A_42 : vector<1x256xf32> to vector<64x256xf32>
    %add3A_44 = arith.addf %dot_general3A_39, %add3A_43 : vector<64x256xf32>
    %gt3A_45 = arith.constant 0.000000e+00 : f32
    %gt3A_46 = vector.broadcast %gt3A_45 : f32 to vector<64x256xf32>
    %gt3A_47 = arith.cmpf ogt, %add3A_44, %gt3A_46 : vector<64x256xf32>
    %min3A_48 = arith.constant 0.000000e+00 : f32
    %min3A_49 = vector.broadcast %min3A_48 : f32 to vector<64x256xf32>
    %min3A_50 = arith.minimumf %add3A_44, %min3A_49 : vector<64x256xf32>
    %exp3A_51 = math.exp %min3A_50 : vector<64x256xf32>
    %sub3A_52 = arith.constant 1.000000e+00 : f32
    %sub3A_53 = vector.broadcast %sub3A_52 : f32 to vector<64x256xf32>
    %sub3A_54 = arith.subf %exp3A_51, %sub3A_53 : vector<64x256xf32>
    %select_n3A_55 = arith.select %gt3A_47, %add3A_44, %sub3A_54 : vector<64x256xi1>, vector<64x256xf32>
    %get3A_56 = arith.constant 0 : index
    %get3A_57 = arith.constant 0 : index
    %get3A_58 = vector.load %arg7[%get3A_56, %get3A_57] : memref<256x128xf32, #tpu.memory_space<vmem>>, vector<256x128xf32>
    %dot_general3A_59 = arith.constant dense<0.000000e+00> : vector<64x128xf32>
    %dot_general3A_60 = tpu.matmul %select_n3A_55, %get3A_58, %dot_general3A_59 {dimension_numbers = #tpu.dot_dimension_numbers<[1], [0], [0], [1], [0, 0, 1, 1], [], []>, transpose_lhs_hint = false} : vector<64x256xf32>, vector<256x128xf32>, vector<64x128xf32> -> vector<64x128xf32>
    %get3A_61 = arith.constant 0 : index
    %get3A_62 = arith.constant 0 : index
    %get3A_63 = vector.load %arg8[%get3A_61, %get3A_62] : memref<1x128xf32, #tpu.memory_space<vmem>>, vector<1x128xf32>
    %add3A_64 = vector.broadcast %get3A_63 : vector<1x128xf32> to vector<64x128xf32>
    %add3A_65 = arith.addf %dot_general3A_60, %add3A_64 : vector<64x128xf32>
    %gt3A_66 = arith.constant 0.000000e+00 : f32
    %gt3A_67 = vector.broadcast %gt3A_66 : f32 to vector<64x128xf32>
    %gt3A_68 = arith.cmpf ogt, %add3A_65, %gt3A_67 : vector<64x128xf32>
    %min3A_69 = arith.constant 0.000000e+00 : f32
    %min3A_70 = vector.broadcast %min3A_69 : f32 to vector<64x128xf32>
    %min3A_71 = arith.minimumf %add3A_65, %min3A_70 : vector<64x128xf32>
    %exp3A_72 = math.exp %min3A_71 : vector<64x128xf32>
    %sub3A_73 = arith.constant 1.000000e+00 : f32
    %sub3A_74 = vector.broadcast %sub3A_73 : f32 to vector<64x128xf32>
    %sub3A_75 = arith.subf %exp3A_72, %sub3A_74 : vector<64x128xf32>
    %select_n3A_76 = arith.select %gt3A_68, %add3A_65, %sub3A_75 : vector<64x128xi1>, vector<64x128xf32>
    %get3A_77 = arith.constant 0 : index
    %get3A_78 = arith.constant 0 : index
    %get3A_79 = vector.load %arg9[%get3A_77, %get3A_78] : memref<128x32xf32, #tpu.memory_space<vmem>>, vector<128x32xf32>
    %dot_general3A_80 = arith.constant dense<0.000000e+00> : vector<64x32xf32>
    %dot_general3A_81 = tpu.matmul %select_n3A_76, %get3A_79, %dot_general3A_80 {dimension_numbers = #tpu.dot_dimension_numbers<[1], [0], [0], [1], [0, 0, 1, 1], [], []>, transpose_lhs_hint = false} : vector<64x128xf32>, vector<128x32xf32>, vector<64x32xf32> -> vector<64x32xf32>
    %get3A_82 = arith.constant 0 : index
    %get3A_83 = arith.constant 0 : index
    %get3A_84 = vector.load %arg10[%get3A_82, %get3A_83] : memref<1x32xf32, #tpu.memory_space<vmem>>, vector<1x32xf32>
    %add3A_85 = vector.broadcast %get3A_84 : vector<1x32xf32> to vector<64x32xf32>
    %add3A_86 = arith.addf %dot_general3A_81, %add3A_85 : vector<64x32xf32>
    %get3A_87 = arith.constant 0 : index
    %get3A_88 = arith.constant 0 : index
    %get3A_89 = vector.load %arg11[%get3A_87, %get3A_88] : memref<32x32xf32, #tpu.memory_space<vmem>>, vector<32x32xf32>
    %dot_general3A_90 = arith.constant dense<0.000000e+00> : vector<64x32xf32>
    %dot_general3A_91 = tpu.matmul %add3A_86, %get3A_89, %dot_general3A_90 {dimension_numbers = #tpu.dot_dimension_numbers<[1], [0], [0], [1], [0, 0, 1, 1], [], []>, transpose_lhs_hint = false} : vector<64x32xf32>, vector<32x32xf32>, vector<64x32xf32> -> vector<64x32xf32>
    %max3A = arith.maximumf %add3A_86, %dot_general3A_91 : vector<64x32xf32>
    %sub3A_92 = arith.subf %add3A_86, %max3A : vector<64x32xf32>
    %exp3A_93 = math.exp %sub3A_92 : vector<64x32xf32>
    %sub3A_94 = arith.subf %dot_general3A_91, %max3A : vector<64x32xf32>
    %exp3A_95 = math.exp %sub3A_94 : vector<64x32xf32>
    %add3A_96 = arith.addf %exp3A_93, %exp3A_95 : vector<64x32xf32>
    %log3A = math.log %add3A_96 : vector<64x32xf32>
    %add3A_97 = arith.addf %max3A, %log3A : vector<64x32xf32>
    %sub3A_98 = arith.subf %add3A_86, %add3A_97 : vector<64x32xf32>
    %swap3A = arith.constant 0 : index
    %swap3A_99 = arith.constant 0 : index
    %swap3A_100 = vector.load %arg12[%swap3A, %swap3A_99] : memref<64x32xf32, #tpu.memory_space<vmem>>, vector<64x32xf32>
    tpu.vector_store %arg12[%swap3A, %swap3A_99], %sub3A_98 {strides = array<i32>} : memref<64x32xf32, #tpu.memory_space<vmem>>, vector<64x32xf32>,
    return
  }
  func.func @transform_0(%arg0: i32) -> (i32, i32, i32) {
    %c0_i32 = arith.constant 0 : i32
    %c0_i32_0 = arith.constant 0 : i32
    %c0_i32_1 = arith.constant 0 : i32
    return %c0_i32, %arg0, %c0_i32_0 : i32, i32, i32
  }
  func.func @transform_1(%arg0: i32) -> (i32, i32, i32) {
    %c0_i32 = arith.constant 0 : i32
    %c0_i32_0 = arith.constant 0 : i32
    %c0_i32_1 = arith.constant 0 : i32
    return %c0_i32, %arg0, %c0_i32_0 : i32, i32, i32
  }
  func.func @transform_2(%arg0: i32) -> (i32, i32) {
    %c0_i32 = arith.constant 0 : i32
    %c0_i32_0 = arith.constant 0 : i32
    %c0_i32_1 = arith.constant 0 : i32
    return %c0_i32, %c0_i32_0 : i32, i32
  }
  func.func @transform_3(%arg0: i32) -> (i32, i32) {
    %c0_i32 = arith.constant 0 : i32
    %c0_i32_0 = arith.constant 0 : i32
    %c0_i32_1 = arith.constant 0 : i32
    return %c0_i32, %c0_i32_0 : i32, i32
  }
  func.func @transform_4(%arg0: i32) -> (i32, i32) {
    %c0_i32 = arith.constant 0 : i32
    %c0_i32_0 = arith.constant 0 : i32
    %c0_i32_1 = arith.constant 0 : i32
    return %c0_i32, %c0_i32_0 : i32, i32
  }
  func.func @transform_5(%arg0: i32) -> (i32, i32) {
    %c0_i32 = arith.constant 0 : i32
    %c0_i32_0 = arith.constant 0 : i32
    %c0_i32_1 = arith.constant 0 : i32
    return %c0_i32, %c0_i32_0 : i32, i32
  }
  func.func @transform_6(%arg0: i32) -> (i32, i32) {
    %c0_i32 = arith.constant 0 : i32
    %c0_i32_0 = arith.constant 0 : i32
    %c0_i32_1 = arith.constant 0 : i32
    return %c0_i32, %c0_i32_0 : i32, i32
  }
  func.func @transform_7(%arg0: i32) -> (i32, i32) {
    %c0_i32 = arith.constant 0 : i32
    %c0_i32_0 = arith.constant 0 : i32
    %c0_i32_1 = arith.constant 0 : i32
    return %c0_i32, %c0_i32_0 : i32, i32
  }
  func.func @transform_8(%arg0: i32) -> (i32, i32) {
    %c0_i32 = arith.constant 0 : i32
    %c0_i32_0 = arith.constant 0 : i32
    %c0_i32_1 = arith.constant 0 : i32
    return %c0_i32, %c0_i32_0 : i32, i32
  }
  func.func @transform_9(%arg0: i32) -> (i32, i32) {
    %c0_i32 = arith.constant 0 : i32
    %c0_i32_0 = arith.constant 0 : i32
    %c0_i32_1 = arith.constant 0 : i32
    return %c0_i32, %c0_i32_0 : i32, i32
  }
  func.func @transform_10(%arg0: i32) -> (i32, i32) {
    %c0_i32 = arith.constant 0 : i32
    %c0_i32_0 = arith.constant 0 : i32
    %c0_i32_1 = arith.constant 0 : i32
    return %c0_i32, %c0_i32_0 : i32, i32
  }
  func.func @transform_11(%arg0: i32) -> (i32, i32) {
    %c0_i32 = arith.constant 0 : i32
    %c0_i32_0 = arith.constant 0 : i32
    return %arg0, %c0_i32 : i32, i32
  }
}

</mosaic_0001>

<sc_bundles>
// kernel: kernel.6.cloned.1.call-start
scs
__scs_entry_jumppad:
0x0: {  	(pc) =	sbr.rel $0x88, $3  }
0x1: {  	(tag) =	ssettag $0x0;
	lr =	simm.s32 $0x1  }
0x2: {  	[smem:$0x3F97] =	sst lr;
	_ =	strace $0xD0000000  }
0x3: {  	_ = 	snop  }
0x4: {  	_ = 	snop  }
0x5: {  	_ = 	snop  }
0x6: {  	_ = 	snop  }
0x7: {  	_ = 	snop  }
__scs_overlays_trampoline_lowered:
0x8: {  	[smem:$0x3FA6] =	sst s0  }
0x9: {  	[smem:$0x3FA7] =	sst s1  }
0xa: {  	[smem:$0x3FA8] =	sst s2  }
0xb: {  	[smem:$0x3FA9] =	sst s3  }
0xc: {  	[smem:$0x3FAA] =	sst s4  }
0xd: {  	[smem:$0x3FAB] =	sst s5  }
0xe: {  	[smem:$0x3FAC] =	sst s6  }
0xf: {  	[smem:$0x3FAD] =	sst s7  }
0x10: {  	[smem:$0x3FAE] =	sst s8  }
0x11: {  	[smem:$0x3FAF] =	sst s9;
	s0 =	simm.s32 @!p0 $0x0  }
0x12: {  	s1 =	sld [smem:$0x3F95];
	s0 =	simm.s32 @p0 $0x1  }
0x13: {  	[smem:$0x3FB0] =	sst s0;
	s0 =	simm.s32 @!p1 $0x0  }
0x14: {  	s2 =	sld [smem:$0x3F94];
	s0 =	simm.s32 @p1 $0x1  }
0x15: {  	[smem:$0x3FB1] =	sst s0;
	s0 =	simm.s32 @!p2 $0x0  }
0x16: {  	s3 =	sld [smem:$0x3FDB];
	s0 =	simm.s32 @p2 $0x1  }
0x17: {  	s4 =	simm.s32 $0x1BF5;
	[smem:$0x3FB3] =	sst s0  }
0x18: {  	s0 =	sld [smem:$0x3F96];
	_ =	swait.ge [sflag:s4], $0x0  }
0x19: {  	s7 =	sld [smem:$0x3F97]  }
0x1a: {  	s8 =	sadd.s32 $0xFFFFE003, lr  }
0x1b: {  	s9 =	sadd.s32 $0xFFFFFEF7, lr;
	s5 =	simm.s32 $0xFFFFFFFF;
	p2 =	slt.u32 s8, $0xFFFFF086  }
0x1c: {  	p1 =	slt.u32 s9, $0xF7A;
	s5 =	simm.s32 @!p2 $0x0  }
0x1d: {  	s5 =	simm.s32 @p1 $0x1;
	p0 =	seq.s32 s7, s2  }
0x1e: {  	s7 =	smul.u32 @!p0 $0xF7A, s2;
	p2 =	seq.s32 @!p0 s5, $0x0  }
0x1f: {  	s9 =	smul.u32 $0xF7A, s1;
	s8 =	simm.s32 @!p0 $0x1BF5;
	p2 =	por !p2, p0  }
0x20: {  	[sflag:s8] =	ssyncset.s32 @!p0 $0xFFFFF086;
	s6 =	sadd.s32 @!p0 s3, s7;
	s7 =	simm.s32 @!p0 $0x108  }
0x21: {  	s3 =	sadd.s32 s3, s9;
	s6 =	sadd.s32 @!p0 $0x88, s6;
	s7 =	simm.s32 @p2 $0x1082  }
0x22: {  	[simem:s7], [sflag:s8] =	dma.local @!p0 [hbm:s6], $0xF7A  }
0x23: {  	s9 =	sor.u32 $0xD0000000, s2;
	s6 =	simm.s32 $0x108;
	_ =	swait.ge @!p0 [sflag:s8], $0x0  }
0x24: {  	s3 =	sadd.s32 $0x88, s3;
	s6 =	simm.s32 @!p1 $0x1082;
	[sflag:s4] =	ssyncset.s32 $0xFFFFF086  }
0x25: {  	[simem:s6], [sflag:s4] =	dma.local [hbm:s3], $0xF7A  }
0x26: {  	[smem:$0x3F97] =	sst s1;
	(tag) =	ssettag s2;
	_ =	strace s9  }
0x27: {  	s1 =	sld [smem:$0x3FA7]  }
0x28: {  	s2 =	sld [smem:$0x3FA8]  }
0x29: {  	s4 =	sld [smem:$0x3FAA]  }
0x2a: {  	p0 =	seq.s32 s5, $0x0;
	s5 =	sld [smem:$0x3FAB]  }
0x2b: {  	s6 =	sld [smem:$0x3FAC]  }
0x2c: {  	s7 =	sld [smem:$0x3FAD]  }
0x2d: {  	s3 =	simm.s32 $0x108;
	s8 =	sld [smem:$0x3FAE]  }
0x2e: {  	s3 =	simm.s32 @!p0 $0x1082;
	s9 =	sld [smem:$0x3FAF]  }
0x2f: {  	lr =	sadd.s32 s0, s3;
	s0 =	sld [smem:$0x3FA6]  }
0x30: {  	s3 =	sld [smem:$0x3FA9]  }
0x31: {  	[smem:$0x3FB2] =	sst s10  }
0x32: {  	s10 =	sld [smem:$0x3FB0];
	_ =	sdelay $0x3  }
0x33: {  	p0 =	seq.s32 s10, $0x1;
	s10 =	sld [smem:$0x3FB2];
	_ =	sdelay $0x3  }
0x34: {  	[smem:$0x3FB2] =	sst s10  }
0x35: {  	s10 =	sld [smem:$0x3FB1];
	_ =	sdelay $0x3  }
0x36: {  	p1 =	seq.s32 s10, $0x1;
	s10 =	sld [smem:$0x3FB2];
	_ =	sdelay $0x3  }
0x37: {  	[smem:$0x3FB2] =	sst s10  }
0x38: {  	s10 =	sld [smem:$0x3FB3]  }
0x39: {  	_ = 	snop;
	(pc) =	sbr.ind lr, $3  }
0x3a: {  	_ = 	snop  }
0x3b: {  	_ = 	snop  }
0x3c: {  	p2 =	seq.s32 s10, $0x1;
	s10 =	sld [smem:$0x3FB2]  }
0x3d: {  	_ =	shalt  }
0x3e: {  	_ =	shalt  }
0x3f: {  	_ =	shalt  }
0x40: {  	_ =	shalt  }
0x41: {  	_ =	shalt  }
0x42: {  	_ =	shalt  }
0x43: {  	_ =	shalt  }
0x44: {  	_ =	shalt  }
0x45: {  	_ =	shalt  }
0x46: {  	_ =	shalt  }
0x47: {  	_ =	shalt  }
0x48: {  	_ =	shalt  }
0x49: {  	_ =	shalt  }
0x4a: {  	_ =	shalt  }
0x4b: {  	_ =	shalt  }
0x4c: {  	_ =	shalt  }
0x4d: {  	_ =	shalt  }
0x4e: {  	_ =	shalt  }
0x4f: {  	_ =	shalt  }
0x50: {  	_ =	shalt  }
0x51: {  	_ =	shalt  }
0x52: {  	_ =	shalt  }
0x53: {  	_ =	shalt  }
0x54: {  	_ =	shalt  }
0x55: {  	_ =	shalt  }
0x56: {  	_ =	shalt  }
0x57: {  	_ =	shalt  }
0x58: {  	_ =	shalt  }
0x59: {  	_ =	shalt  }
0x5a: {  	_ =	shalt  }
0x5b: {  	_ =	shalt  }
0x5c: {  	_ =	shalt  }
0x5d: {  	_ =	shalt  }
0x5e: {  	_ =	shalt  }
0x5f: {  	_ =	shalt  }
0x60: {  	_ =	shalt  }
0x61: {  	_ =	shalt  }
0x62: {  	_ =	shalt  }
0x63: {  	_ =	shalt  }
0x64: {  	_ =	shalt  }
0x65: {  	_ =	shalt  }
0x66: {  	_ =	shalt  }
0x67: {  	_ =	shalt  }
0x68: {  	_ =	shalt  }
0x69: {  	_ =	shalt  }
0x6a: {  	_ =	shalt  }
0x6b: {  	_ =	shalt  }
0x6c: {  	_ =	shalt  }
0x6d: {  	_ =	shalt  }
0x6e: {  	_ =	shalt  }
0x6f: {  	_ =	shalt  }
0x70: {  	_ =	shalt  }
0x71: {  	_ =	shalt  }
0x72: {  	_ =	shalt  }
0x73: {  	_ =	shalt  }
0x74: {  	_ =	shalt  }
0x75: {  	_ =	shalt  }
0x76: {  	_ =	shalt  }
0x77: {  	_ =	shalt  }
0x78: {  	_ =	shalt  }
0x79: {  	_ =	shalt  }
0x7a: {  	_ =	shalt  }
0x7b: {  	_ =	shalt  }
0x7c: {  	_ =	shalt  }
0x7d: {  	_ =	shalt  }
0x7e: {  	_ =	shalt  }
0x7f: {  	_ =	shalt  }
0x80: {  	_ =	shalt  }
0x81: {  	_ =	shalt  }
0x82: {  	_ =	shalt  }
0x83: {  	_ =	shalt  }
0x84: {  	_ =	shalt  }
0x85: {  	_ =	shalt  }
0x86: {  	_ =	shalt  }
0x87: {  	_ =	shalt  }
.Lfunc_end0:
.L_simem_size_0:
called_computation_lowered:
.L_overlay_start_0:
0x88: {  	s2 =	sld [smem:$0x3FD9]  }
0x89: {  	s3 =	sld [smem:$0x3FFE];
	_ =	sdelay $0x1  }
0x8a: {  	s1 =	srdreg.scid  }
0x8b: {  	s0 =	sand.u32 $0x1, s1  }
0x8c: {  	s17 =	sshll.u32 s0, $0xA;
	s2 =	sadd.s32 s3, s2  }
0x8d: {  	s2 =	sadd.s32 s2, s17  }
0x8e: {  	[smem:$0x3FBE] =	sst s2  }
0x8f: {  	_ = 	snop  }
0x90: {  	s2 =	sld [smem:$0x3FD0];
	(tm) =	ssettm $0x1  }
0x91: {  	s18 =	sld [smem:$0x3FFB];
	_ =	sdelay $0x3  }
0x92: {  	_ =	strace s18  }
0x93: {  	s3 =	sld [smem:$0x3FFC];
	_ =	sdelay $0x3  }
0x94: {  	_ =	strace s3  }
0x95: {  	s3 =	sld [smem:$0x3FFD];
	_ =	sdelay $0x3  }
0x96: {  	_ =	strace s3  }
0x97: {  	_ =	strace $0x8FFFFFFF  }
0x98: {  	s19 =	sld [smem:$0x3FDB];
	_ =	sdelay $0x1  }
0x99: {  	s4 =	simm.s32 $_scs_section_size  }
0x9a: {  	s5 =	simm.s32 $_size__tile_overlayer_lowered;
	s6 =	simm.s32 $_tile_overlayer_lowered  }
0x9b: {  	s22 =	simm.s32 $0x1BFF;
	s21 =	sshll.u32 s6, $0x1;
	s3 =	sadd.s32 s4, s19  }
0x9c: {  	s7 =	simm.s32 $0x0;
	s20 =	sshll.u32 s5, $0x1;
	s5 =	sadd.s32 s21, s3  }
0x9d: {  	[timem:s7], [sflag:s22] =	dma.local [hbm:s5], s20  }
0x9e: {  	_ =	swait.ge [sflag:s22], s20  }
0x9f: {  	s4 =	ssub.s32 $0x0, s20;
	[sflag:s22] =	ssyncset.done $0x0  }
0xa0: {  	[sflag:s22] =	ssyncadd.s32 s4;
	_ =	sdelay $0x1  }
0xa1: {  	s23 =	simm.s32 $0x1B8B  }
0xa2: {  	_ =	swait.ge [sflag:s23], $0x1  }
0xa3: {  	[sflag:s23] =	ssyncset.done $0x0  }
0xa4: {  	s25 =	simm.s32 $0x1B8E;
	s24 =	sld [smem:$0x3FFE];
	[sflag:s23] =	ssyncadd.s32 $0xFFFFFFFF  }
0xa5: {  	s26 =	simm.s32 $execute0_lowered;
	[smem:$0x3FD2] =	sst s25  }
0xa6: {  	s5 =	sshll.u32 s26, $0x1;
	_ =	strace $0x80000046;
	[dreg:$0x1] =	wrdreg $0xFFFFFFFF  }
0xa7: {  	s28 =	simm.s32 $_size_execute0_lowered;
	s3 =	sadd.s32 s3, s5;
	[dreg:$0x0] =	wrdreg $0x0  }
0xa8: {  	s5 =	sshll.u32 s28, $0x1;
	[dreg:$0x2] =	wrdreg s3  }
0xa9: {  	[dreg:$0x3] =	wrdreg s5  }
0xaa: {  	[dreg:$0x4] =	wrdreg $0xC0  }
0xab: {  	_ =	task [dreg:s7], $0x5FFFF  }
0xac: {  	[dreg:$0x1] =	wrdreg $0xFFFFFFFF  }
0xad: {  	[dreg:$0x0] =	wrdreg $0x60  }
0xae: {  	[dreg:$0x2] =	wrdreg s24  }
0xaf: {  	[dreg:$0x3] =	wrdreg s2  }
0xb0: {  	[dreg:$0x4] =	wrdreg $0x1A800  }
0xb1: {  	[dreg:$0x5] =	wrdreg $0x9  }
0xb2: {  	_ =	task.clear_ibuf [dreg:s7], $0x6FFFF;
	_ =	strace $0x90000046  }
0xb3: {  	s29 =	simm.s32 $0x9;
	_ =	strace $0x80000048  }
0xb4: {  	_ =	swait.ge [sflag:s29], $0x1  }
0xb5: {  	[sflag:s29] =	ssyncadd.s32 $0xFFFFFFFF  }
0xb6: {  	_ =	strace $0x90000048  }
0xb7: {  	_ =	sfence  }
0xb8: {  	s30 =	sld [smem:$0x0];
	_ =	sdelay $0x2  }
0xb9: {  	s31 =	sshll.u32 s1, $0xD;
	s1 =	sshrl.u32 s1, $0x2  }
0xba: {  	s3 =	sand.u32 $0x4000, s31;
	s1 =	sadd.s32 s1, s30  }
0xbb: {  	s0 =	sor.u32 s3, s0;
	s1 =	sshll.u32 s1, $0x11  }
0xbc: {  	s0 =	sor.u32 s1, s0  }
0xbd: {  	s0 =	sadd.s32 $0x8F2B, s0  }
0xbe: {  	[sflag:s0] =	ssyncadd.remote.s32 $0x1  }
0xbf: {  	_ =	sfence.sel $0xFFFF  }
0xc0: {  	[dreg:$0x0] =	wrdreg $0xFFFFFFFF;
	(pc) =	sbr.abs _section_cstart, $3  }
0xc1: {  	[dreg:$0x1] =	wrdreg $0xFFFFFFFF  }
0xc2: {  	_ =	task.clear_ibuf [dreg:s7], $0x2FFFF;
	_ =	strace $0x9FFFFFFF  }
0xc3: {  	(tm) =	ssettm $0x7FFFFFFF  }
tec
execute0_lowered:
.L_overlay_start_1:
0x0: {  	(tag) =	ssettag $0x1  }
0x1: {  	s5 =	rddreg [dreg:$0x0]  }
0x2: {  	s6 =	rddreg [dreg:$0x1]  }
0x3: {  	s1 =	rddreg [dreg:$0x2]  }
0x4: {  	s0 =	rddreg [dreg:$0x3];
	s3 =	simm.s32 $0x0;
	s4 =	srdreg.scid  }
0x5: {  	s2 =	stileid.u32;
	s14 =	simm.s32 $0x1A00;
	s15 =	simm.s32 $0x1  }
0x6: {  	s16 =	simm.s32 $0x0;
	[smem:$0x7FF] =	sst s3;
	s7 =	smul.u32 $0x34, s2  }
0x7: {  	s4 =	sand.u32 $0x1, s4;
	s8 =	sshll.u32 s2, $0x5;
	s9 =	smul.u32 $0x280, s2  }
0x8: {  	s31 =	sshll.u32 s2, $0x6;
	p0 =	seq.s32 s4, $0x0;
	s8 =	sadd.s32 $0x340, s8  }
0x9: {  	s26 =	smul.u32 $0x2800, s4;
	_ =	strace $0x80000047;
	s29 =	ssub.s32 $0x2, s4  }
0xa: {  	s4 =	simm.s32 $0x20;
	s7 =	smov.u32 @p0 s8;
	s11 =	sshrl.u32 s29, $0x1  }
0xb: {  	s4 =	simm.s32 @!p0 $0x34;
	s7 =	sshll.u32 s7, $0x4;
	s28 =	sadd.s32 s9, s26  }
0xc: {  	s13 =	sadd.s32 s9, s1;
	s10 =	sadd.s32 s7, s5;
	s7 =	sshrl.u32 s28, $0x3  }
0xd: {  	s30 =	sshrl.u32 s9, $0x3;
	s11 =	ssub.s32 s29, s11;
	s12 =	sadd.s32 s7, s5  }
0xe: {  	s5 =	sadd.s32 s6, s30;
	s6 =	sor.u32 $0x1C02, s31;
	s7 =	sadd.s32 $0x7400, s10  }
0xf: {  	s8 =	sadd.s32 $0x7600, s10;
	s10 =	smax.u32 s11, $0x1;
	s11 =	sshrl.u32 s13, $0x3  }
0x10: {  	v0 =	vimm.f32 $1.000000000e+00;
	s13 =	simm.s32 $0x80;
	s9 =	sadd.s32 $0xC800, s12;
	s12 =	simm.s32 $0x2  }
.LBB2_1:
0x11: {  	[spmem:s11], [sflag:s6] =	dma.local [hbm:s5], $0x50  }
0x12: {  	_ =	swait.ge [sflag:s12], $0x50  }
0x13: {  	[sflag:s12] =	ssyncset.done $0x0  }
0x14: {  	[sflag:s12] =	ssyncadd.s32 $0xFFFFFFB0  }
0x15: {  	[tilespmem:$0x1A00] =	vst v0  }
0x16: {  	[tilespmem:$0x1A10] =	vst v0  }
0x17: {  	[tilespmem:$0x1A20] =	vst v0  }
0x18: {  	[tilespmem:$0x1A30] =	vst v0  }
0x19: {  	[tilespmem:$0x1A40] =	vst v0  }
0x1a: {  	[tilespmem:$0x1A50] =	vst v0  }
0x1b: {  	[tilespmem:$0x1A60] =	vst v0  }
0x1c: {  	[tilespmem:$0x1A70] =	vst v0  }
0x1d: {  	[tilespmem:s3], [sflag:$0x2] =	stream.linear.gather [hbm4b:s7+s3], $0x1000, $0x38;
	[tilespmem:$0x1D00] =	vst v63  }
0x1e: {  	_ =	swait.ge [sflag:s12], $0x1000  }
0x1f: {  	[sflag:s12] =	ssyncset.done $0x0  }
0x20: {  	s17 =	simm.s32 @!p0 $0x0;
	s18 =	simm.s32 @!p0 $0x1000;
	[sflag:s12] =	ssyncadd.s32 $0xFFFFF000  }
0x21: {  	[tilespmem:s18], [sflag:$0x2] =	stream.linear.gather @!p0 [hbm4b:s8+s17], $0xA00, $0x38;
	[tilespmem:$0x1D00] =	vst v63  }
0x22: {  	p1 =	sne.s32 s4, $0x1;
	s17 =	simm.s32 @!p0 $0x2  }
.Ltmp0:
0x23: {  	_ =	swait.ge @!p0 [sflag:s17], $0xA00;
	(pc) =	sbr.rel @!p1 .LBB2_3-.Ltmp0, $4  }
0x24: {  	[sflag:s17] =	ssyncset.done @!p0 $0x0  }
0x25: {  	[sflag:s17] =	ssyncadd.s32 @!p0 $0xFFFFF600  }
0x26: {  	s18 =	simm.s32 $0x0;
	s17 =	sadd.s32 $0xFFFFFFFF, s4;
	[bflag:$0x0] =	sbarrier.arrive $0xFFFF  }
0x27: {  	[spmem:s1] =	stream.indirect.scatter.add.f32 [tilespmem:s14], [sflag:$0x1], $0x1, s3, s13, $0xb8;
	[tilespmem:$0x1D00] =	vst v63  }
.LBB2_2:
0x28: {  	p2 =	sne.s32 s17, $0x1  }
.Ltmp1:
0x29: {  	_ = 	snop;
	(pc) =	sbr.rel @p2 .LBB2_2-.Ltmp1, $3  }
0x2a: {  	_ = 	snop  }
0x2b: {  	s17 =	sadd.s32 $0xFFFFFFFF, s17;
	s18 =	sadd.s32 $0x80, s18;
	_ =	sdelay $0x1  }
0x2c: {  	[spmem:s1] =	stream.indirect.scatter.add.f32 [tilespmem:s14], [sflag:$0x1], $0x1, s18, s13, $0xb8;
	[tilespmem:$0x1D00] =	vst v63  }
.LBB2_3:
.Ltmp2:
0x2d: {  	(pc) =	sbr.rel @!p1 .LBB2_5-.Ltmp2, $3  }
0x2e: {  	_ =	sdelay $0x1  }
0x2f: {  	_ =	swait.ge [sflag:s15], $0x80  }
0x30: {  	s17 =	sadd.s32 $0xFFFFFFFF, s4;
	[sflag:s15] =	ssyncset.done $0x0  }
.LBB2_4:
0x31: {  	p1 =	sne.s32 s17, $0x1;
	s17 =	sadd.s32 $0xFFFFFFFF, s17;
	[sflag:s15] =	ssyncadd.s32 $0xFFFFFF80  }
.Ltmp3:
0x32: {  	(pc) =	sbr.rel @p1 .LBB2_4-.Ltmp3, $3  }
0x33: {  	_ =	sdelay $0x1  }
0x34: {  	_ =	swait.ge [sflag:s15], $0x80  }
0x35: {  	[sflag:s15] =	ssyncset.done $0x0  }
.LBB2_5:
0x36: {  	s16 =	sadd.s32 $0x1, s16  }
0x37: {  	[sflag:s15] =	ssyncadd.s32 $0xFFFFFF80;
	p1 =	sne.s32 s16, s10  }
.Ltmp4:
0x38: {  	[bflag:$0x0] =	sbarrier.arrive $0xFFFF;
	(pc) =	sbr.rel @p1 .LBB2_1-.Ltmp4, $4  }
0x39: {  	[hbm:s9], [sflag:s6] =	dma.local [spmem:s11], $0x50  }
0x3a: {  	_ =	swait.ge [sflag:s12], $0x50  }
0x3b: {  	[sflag:s12] =	ssyncset.done $0x0  }
0x3c: {  	[sflag:s12] =	ssyncadd.s32 $0xFFFFFFB0  }
0x3d: {  	_ =	sfence.sel $0x180000  }
0x3e: {  	[bflag:$0x0] =	sbarrier.arrive $0xFFFF  }
0x3f: {  	p0 =	sne.s32 s2, $0x0;
	_ =	strace $0x90000047  }
0x40: {  	s0 =	sadd.s32 @!p0 $0x100000, s0;
	[bflag:$0x2] =	sbarrier.arrive $0xFFFF  }
0x41: {  	[sflag:s0] =	ssyncadd.tile.s32 @!p0 $0x1;
	_ =	shalt  }
.Lfunc_end2:
_tile_overlayer_lowered:
.L_overlay_start_2:
0x42: {  	(tag) =	ssettag $0x2  }
0x43: {  	s0 =	rddreg [dreg:$0x0];
	s2 =	stileid.u32  }
0x44: {  	s1 =	rddreg [dreg:$0x1];
	p0 =	sne.s32 s2, $0x0  }
0x45: {  	s3 =	rddreg [dreg:$0x2];
	[bflag:$0x3] =	sbarrier.arrive $0xFFFF;
	s2 =	simm.s32 @!p0 $0x1C02  }
0x46: {  	[timem:s3], [sflag:s2] =	dma.local @!p0 [hbm:s0], s1  }
0x47: {  	s0 =	simm.s32 @!p0 $0x2  }
0x48: {  	_ =	swait.ge @!p0 [sflag:s0], s1  }
0x49: {  	s1 =	ssub.s32 @!p0 $0x0, s1;
	[sflag:s0] =	ssyncset.done @!p0 $0x0  }
0x4a: {  	[sflag:s0] =	ssyncadd.s32 @!p0 s1  }
0x4b: {  	[bflag:$0x3] =	sbarrier.arrive $0xFFFF  }
0x4c: {  	_ =	shalt  }

// kernel: kernel.9.cloned.1.call-start
scs
__scs_entry_jumppad:
0x0: {  	(pc) =	sbr.rel $0x88, $3  }
0x1: {  	(tag) =	ssettag $0x0;
	lr =	simm.s32 $0x1  }
0x2: {  	[smem:$0x3F97] =	sst lr;
	_ =	strace $0xD0000000  }
0x3: {  	_ = 	snop  }
0x4: {  	_ = 	snop  }
0x5: {  	_ = 	snop  }
0x6: {  	_ = 	snop  }
0x7: {  	_ = 	snop  }
__scs_overlays_trampoline_lowered:
0x8: {  	[smem:$0x3FA6] =	sst s0  }
0x9: {  	[smem:$0x3FA7] =	sst s1  }
0xa: {  	[smem:$0x3FA8] =	sst s2  }
0xb: {  	[smem:$0x3FA9] =	sst s3  }
0xc: {  	[smem:$0x3FAA] =	sst s4  }
0xd: {  	[smem:$0x3FAB] =	sst s5  }
0xe: {  	[smem:$0x3FAC] =	sst s6  }
0xf: {  	[smem:$0x3FAD] =	sst s7  }
0x10: {  	[smem:$0x3FAE] =	sst s8  }
0x11: {  	[smem:$0x3FAF] =	sst s9;
	s0 =	simm.s32 @!p0 $0x0  }
0x12: {  	s1 =	sld [smem:$0x3F95];
	s0 =	simm.s32 @p0 $0x1  }
0x13: {  	[smem:$0x3FB0] =	sst s0;
	s0 =	simm.s32 @!p1 $0x0  }
0x14: {  	s2 =	sld [smem:$0x3F94];
	s0 =	simm.s32 @p1 $0x1  }
0x15: {  	[smem:$0x3FB1] =	sst s0;
	s0 =	simm.s32 @!p2 $0x0  }
0x16: {  	s3 =	sld [smem:$0x3FDB];
	s0 =	simm.s32 @p2 $0x1  }
0x17: {  	s4 =	simm.s32 $0x1BF5;
	[smem:$0x3FB3] =	sst s0  }
0x18: {  	s0 =	sld [smem:$0x3F96];
	_ =	swait.ge [sflag:s4], $0x0  }
0x19: {  	s7 =	sld [smem:$0x3F97]  }
0x1a: {  	s8 =	sadd.s32 $0xFFFFE003, lr  }
0x1b: {  	s9 =	sadd.s32 $0xFFFFFEF7, lr;
	s5 =	simm.s32 $0xFFFFFFFF;
	p2 =	slt.u32 s8, $0xFFFFF086  }
0x1c: {  	p1 =	slt.u32 s9, $0xF7A;
	s5 =	simm.s32 @!p2 $0x0  }
0x1d: {  	s5 =	simm.s32 @p1 $0x1;
	p0 =	seq.s32 s7, s2  }
0x1e: {  	s7 =	smul.u32 @!p0 $0xF7A, s2;
	p2 =	seq.s32 @!p0 s5, $0x0  }
0x1f: {  	s9 =	smul.u32 $0xF7A, s1;
	s8 =	simm.s32 @!p0 $0x1BF5;
	p2 =	por !p2, p0  }
0x20: {  	[sflag:s8] =	ssyncset.s32 @!p0 $0xFFFFF086;
	s6 =	sadd.s32 @!p0 s3, s7;
	s7 =	simm.s32 @!p0 $0x108  }
0x21: {  	s3 =	sadd.s32 s3, s9;
	s6 =	sadd.s32 @!p0 $0x88, s6;
	s7 =	simm.s32 @p2 $0x1082  }
0x22: {  	[simem:s7], [sflag:s8] =	dma.local @!p0 [hbm:s6], $0xF7A  }
0x23: {  	s9 =	sor.u32 $0xD0000000, s2;
	s6 =	simm.s32 $0x108;
	_ =	swait.ge @!p0 [sflag:s8], $0x0  }
0x24: {  	s3 =	sadd.s32 $0x88, s3;
	s6 =	simm.s32 @!p1 $0x1082;
	[sflag:s4] =	ssyncset.s32 $0xFFFFF086  }
0x25: {  	[simem:s6], [sflag:s4] =	dma.local [hbm:s3], $0xF7A  }
0x26: {  	[smem:$0x3F97] =	sst s1;
	(tag) =	ssettag s2;
	_ =	strace s9  }
0x27: {  	s1 =	sld [smem:$0x3FA7]  }
0x28: {  	s2 =	sld [smem:$0x3FA8]  }
0x29: {  	s4 =	sld [smem:$0x3FAA]  }
0x2a: {  	p0 =	seq.s32 s5, $0x0;
	s5 =	sld [smem:$0x3FAB]  }
0x2b: {  	s6 =	sld [smem:$0x3FAC]  }
0x2c: {  	s7 =	sld [smem:$0x3FAD]  }
0x2d: {  	s3 =	simm.s32 $0x108;
	s8 =	sld [smem:$0x3FAE]  }
0x2e: {  	s3 =	simm.s32 @!p0 $0x1082;
	s9 =	sld [smem:$0x3FAF]  }
0x2f: {  	lr =	sadd.s32 s0, s3;
	s0 =	sld [smem:$0x3FA6]  }
0x30: {  	s3 =	sld [smem:$0x3FA9]  }
0x31: {  	[smem:$0x3FB2] =	sst s10  }
0x32: {  	s10 =	sld [smem:$0x3FB0];
	_ =	sdelay $0x3  }
0x33: {  	p0 =	seq.s32 s10, $0x1;
	s10 =	sld [smem:$0x3FB2];
	_ =	sdelay $0x3  }
0x34: {  	[smem:$0x3FB2] =	sst s10  }
0x35: {  	s10 =	sld [smem:$0x3FB1];
	_ =	sdelay $0x3  }
0x36: {  	p1 =	seq.s32 s10, $0x1;
	s10 =	sld [smem:$0x3FB2];
	_ =	sdelay $0x3  }
0x37: {  	[smem:$0x3FB2] =	sst s10  }
0x38: {  	s10 =	sld [smem:$0x3FB3]  }
0x39: {  	_ = 	snop;
	(pc) =	sbr.ind lr, $3  }
0x3a: {  	_ = 	snop  }
0x3b: {  	_ = 	snop  }
0x3c: {  	p2 =	seq.s32 s10, $0x1;
	s10 =	sld [smem:$0x3FB2]  }
0x3d: {  	_ =	shalt  }
0x3e: {  	_ =	shalt  }
0x3f: {  	_ =	shalt  }
0x40: {  	_ =	shalt  }
0x41: {  	_ =	shalt  }
0x42: {  	_ =	shalt  }
0x43: {  	_ =	shalt  }
0x44: {  	_ =	shalt  }
0x45: {  	_ =	shalt  }
0x46: {  	_ =	shalt  }
0x47: {  	_ =	shalt  }
0x48: {  	_ =	shalt  }
0x49: {  	_ =	shalt  }
0x4a: {  	_ =	shalt  }
0x4b: {  	_ =	shalt  }
0x4c: {  	_ =	shalt  }
0x4d: {  	_ =	shalt  }
0x4e: {  	_ =	shalt  }
0x4f: {  	_ =	shalt  }
0x50: {  	_ =	shalt  }
0x51: {  	_ =	shalt  }
0x52: {  	_ =	shalt  }
0x53: {  	_ =	shalt  }
0x54: {  	_ =	shalt  }
0x55: {  	_ =	shalt  }
0x56: {  	_ =	shalt  }
0x57: {  	_ =	shalt  }
0x58: {  	_ =	shalt  }
0x59: {  	_ =	shalt  }
0x5a: {  	_ =	shalt  }
0x5b: {  	_ =	shalt  }
0x5c: {  	_ =	shalt  }
0x5d: {  	_ =	shalt  }
0x5e: {  	_ =	shalt  }
0x5f: {  	_ =	shalt  }
0x60: {  	_ =	shalt  }
0x61: {  	_ =	shalt  }
0x62: {  	_ =	shalt  }
0x63: {  	_ =	shalt  }
0x64: {  	_ =	shalt  }
0x65: {  	_ =	shalt  }
0x66: {  	_ =	shalt  }
0x67: {  	_ =	shalt  }
0x68: {  	_ =	shalt  }
0x69: {  	_ =	shalt  }
0x6a: {  	_ =	shalt  }
0x6b: {  	_ =	shalt  }
0x6c: {  	_ =	shalt  }
0x6d: {  	_ =	shalt  }
0x6e: {  	_ =	shalt  }
0x6f: {  	_ =	shalt  }
0x70: {  	_ =	shalt  }
0x71: {  	_ =	shalt  }
0x72: {  	_ =	shalt  }
0x73: {  	_ =	shalt  }
0x74: {  	_ =	shalt  }
0x75: {  	_ =	shalt  }
0x76: {  	_ =	shalt  }
0x77: {  	_ =	shalt  }
0x78: {  	_ =	shalt  }
0x79: {  	_ =	shalt  }
0x7a: {  	_ =	shalt  }
0x7b: {  	_ =	shalt  }
0x7c: {  	_ =	shalt  }
0x7d: {  	_ =	shalt  }
0x7e: {  	_ =	shalt  }
0x7f: {  	_ =	shalt  }
0x80: {  	_ =	shalt  }
0x81: {  	_ =	shalt  }
0x82: {  	_ =	shalt  }
0x83: {  	_ =	shalt  }
0x84: {  	_ =	shalt  }
0x85: {  	_ =	shalt  }
0x86: {  	_ =	shalt  }
0x87: {  	_ =	shalt  }
.Lfunc_end0:
.L_simem_size_0:
called_computation.1_lowered:
.L_overlay_start_0:
0x88: {  	s2 =	sld [smem:$0x3FD9]  }
0x89: {  	s3 =	sld [smem:$0x3FFE];
	_ =	sdelay $0x1  }
0x8a: {  	s1 =	srdreg.scid  }
0x8b: {  	s0 =	sand.u32 $0x1, s1  }
0x8c: {  	s16 =	sshll.u32 s0, $0xA;
	s2 =	sadd.s32 s3, s2  }
0x8d: {  	s2 =	sadd.s32 s2, s16  }
0x8e: {  	[smem:$0x3FBE] =	sst s2  }
0x8f: {  	_ = 	snop  }
0x90: {  	(tm) =	ssettm $0x1  }
0x91: {  	s17 =	sld [smem:$0x3FFB];
	_ =	sdelay $0x3  }
0x92: {  	_ =	strace s17  }
0x93: {  	s2 =	sld [smem:$0x3FFC];
	_ =	sdelay $0x3  }
0x94: {  	_ =	strace s2  }
0x95: {  	s2 =	sld [smem:$0x3FFD];
	_ =	sdelay $0x3  }
0x96: {  	_ =	strace s2  }
0x97: {  	_ =	strace $0x8FFFFFFF  }
0x98: {  	s18 =	sld [smem:$0x3FDB];
	_ =	sdelay $0x1  }
0x99: {  	s19 =	simm.s32 $_scs_section_size  }
0x9a: {  	s4 =	simm.s32 $_size__tile_overlayer_lowered;
	s5 =	simm.s32 $_tile_overlayer_lowered  }
0x9b: {  	s22 =	simm.s32 $0x1BFF;
	s21 =	sshll.u32 s5, $0x1;
	s2 =	sadd.s32 s19, s18  }
0x9c: {  	s6 =	simm.s32 $0x0;
	s20 =	sshll.u32 s4, $0x1;
	s4 =	sadd.s32 s21, s2  }
0x9d: {  	[timem:s6], [sflag:s22] =	dma.local [hbm:s4], s20  }
0x9e: {  	_ =	swait.ge [sflag:s22], s20  }
0x9f: {  	s3 =	ssub.s32 $0x0, s20;
	[sflag:s22] =	ssyncset.done $0x0  }
0xa0: {  	[sflag:s22] =	ssyncadd.s32 s3;
	_ =	sdelay $0x1  }
0xa1: {  	s23 =	simm.s32 $0x1B8B  }
0xa2: {  	_ =	swait.ge [sflag:s23], $0x1  }
0xa3: {  	[sflag:s23] =	ssyncset.done $0x0  }
0xa4: {  	s25 =	simm.s32 $0x1B8E;
	s24 =	sld [smem:$0x3FFE];
	[sflag:s23] =	ssyncadd.s32 $0xFFFFFFFF  }
0xa5: {  	s26 =	simm.s32 $execute0_lowered;
	[smem:$0x3FD2] =	sst s25  }
0xa6: {  	s4 =	sshll.u32 s26, $0x1;
	_ =	strace $0x80000049;
	[dreg:$0x1] =	wrdreg $0xFFFFFFFF  }
0xa7: {  	s28 =	simm.s32 $_size_execute0_lowered;
	s2 =	sadd.s32 s2, s4;
	[dreg:$0x0] =	wrdreg $0x0  }
0xa8: {  	s4 =	sshll.u32 s28, $0x1;
	[dreg:$0x2] =	wrdreg s2  }
0xa9: {  	[dreg:$0x3] =	wrdreg s4  }
0xaa: {  	[dreg:$0x4] =	wrdreg $0xC0  }
0xab: {  	_ =	task [dreg:s6], $0x5FFFF  }
0xac: {  	[dreg:$0x1] =	wrdreg $0xFFFFFFFF  }
0xad: {  	[dreg:$0x0] =	wrdreg $0x60  }
0xae: {  	[dreg:$0x2] =	wrdreg s24  }
0xaf: {  	[dreg:$0x3] =	wrdreg $0x44000  }
0xb0: {  	[dreg:$0x4] =	wrdreg $0x9  }
0xb1: {  	_ =	task.clear_ibuf [dreg:s6], $0x5FFFF;
	_ =	strace $0x90000049  }
0xb2: {  	s29 =	simm.s32 $0x9;
	_ =	strace $0x8000004B  }
0xb3: {  	_ =	swait.ge [sflag:s29], $0x1  }
0xb4: {  	[sflag:s29] =	ssyncadd.s32 $0xFFFFFFFF  }
0xb5: {  	_ =	strace $0x9000004B  }
0xb6: {  	_ =	sfence  }
0xb7: {  	s30 =	sld [smem:$0x0];
	_ =	sdelay $0x2  }
0xb8: {  	s31 =	sshll.u32 s1, $0xD;
	s1 =	sshrl.u32 s1, $0x2  }
0xb9: {  	s3 =	sand.u32 $0x4000, s31;
	s1 =	sadd.s32 s1, s30  }
0xba: {  	s0 =	sor.u32 s3, s0;
	s1 =	sshll.u32 s1, $0x11  }
0xbb: {  	s0 =	sor.u32 s1, s0  }
0xbc: {  	s0 =	sadd.s32 $0x8F2B, s0  }
0xbd: {  	[sflag:s0] =	ssyncadd.remote.s32 $0x1  }
0xbe: {  	_ =	sfence.sel $0xFFFF  }
0xbf: {  	[dreg:$0x0] =	wrdreg $0xFFFFFFFF;
	(pc) =	sbr.abs _section_cstart, $3  }
0xc0: {  	[dreg:$0x1] =	wrdreg $0xFFFFFFFF  }
0xc1: {  	_ =	task.clear_ibuf [dreg:s6], $0x2FFFF;
	_ =	strace $0x9FFFFFFF  }
0xc2: {  	(tm) =	ssettm $0x7FFFFFFF  }
0xc3: {  	_ =	shalt  }
tec
execute0_lowered:
.L_overlay_start_1:
0x0: {  	(tag) =	ssettag $0x1  }
0x1: {  	s6 =	rddreg [dreg:$0x0]  }
0x2: {  	s2 =	rddreg [dreg:$0x1];
	s3 =	simm.s32 $0x0  }
0x3: {  	s4 =	srdreg.scid;
	s0 =	stileid.u32;
	s17 =	simm.s32 $0x3400  }
0x4: {  	s18 =	simm.s32 $0x3800;
	s20 =	simm.s32 $0x3C00;
	s21 =	simm.s32 $0x180  }
0x5: {  	s22 =	simm.s32 $0x4000;
	s23 =	simm.s32 $0x1;
	s24 =	simm.s32 $0x2  }
0x6: {  	s25 =	simm.s32 $0x3;
	s28 =	simm.s32 $0x0;
	s5 =	sand.u32 $0x1, s4  }
0x7: {  	s4 =	smul.u32 $0x34, s0;
	s7 =	sshll.u32 s0, $0x5;
	[smem:$0x7FF] =	sst s3  }
0x8: {  	s26 =	smul.u32 $0x1400, s0;
	s30 =	sshll.u32 s0, $0x6;
	p0 =	seq.s32 s5, $0x0  }
0x9: {  	s7 =	sadd.s32 $0x340, s7;
	_ =	strace $0x8000004A;
	s9 =	smul.u32 $0x14000, s5  }
0xa: {  	s10 =	ssub.s32 $0x2, s5;
	s5 =	simm.s32 $0x20;
	s4 =	smov.u32 @p0 s7  }
0xb: {  	s29 =	sshrl.u32 s26, $0x3;
	s12 =	sshrl.u32 s10, $0x1;
	s5 =	simm.s32 @!p0 $0x34  }
0xc: {  	s15 =	sadd.s32 s26, s2;
	s7 =	sor.u32 $0x1C05, s30;
	s8 =	sshll.u32 s4, $0x4  }
0xd: {  	s4 =	sadd.s32 $0xD200, s6;
	s9 =	sadd.s32 s26, s9;
	s14 =	ssub.s32 s10, s12  }
0xe: {  	s16 =	sshll.u32 s5, $0x9;
	s26 =	simm.s32 $0x4;
	s11 =	sadd.s32 s8, s6  }
0xf: {  	s8 =	sadd.s32 s29, s6;
	s9 =	sshrl.u32 s9, $0x3;
	s31 =	sadd.s32 $0xFFFFF800, s16  }
0x10: {  	s16 =	simm.s32 $0x80;
	s13 =	sadd.s32 s9, s6;
	s6 =	sadd.s32 $0xFA00, s8  }
0x11: {  	s8 =	sadd.s32 $0x2000, s11;
	s9 =	sadd.s32 $0x2200, s11;
	s10 =	sadd.s32 $0x7400, s11  }
0x12: {  	s11 =	sadd.s32 $0x7600, s11;
	[dreg:$0x3] =	wrdreg s31;
	s12 =	sadd.s32 $0x12200, s13  }
0x13: {  	s13 =	smax.u32 s14, $0x1;
	s14 =	sshrl.u32 s15, $0x3;
	s15 =	simm.s32 $0x5  }
.LBB2_1:
0x14: {  	[spmem:s14], [sflag:s7] =	dma.local [hbm:s6], $0x280  }
0x15: {  	_ =	swait.ge [sflag:s15], $0x280  }
0x16: {  	[sflag:s15] =	ssyncset.done $0x0  }
0x17: {  	[sflag:s15] =	ssyncadd.s32 $0xFFFFFD80  }
0x18: {  	[tilespmem:s3], [sflag:$0x5] =	stream.linear.gather [hbm4b:s8+s3], $0x1000, $0x38;
	[tilespmem:$0x5800] =	vst v63  }
0x19: {  	_ =	swait.ge [sflag:s15], $0x1000  }
0x1a: {  	[sflag:s15] =	ssyncset.done $0x0  }
0x1b: {  	s29 =	simm.s32 @p0 $0x0;
	s30 =	simm.s32 @p0 $0x1A00;
	[sflag:s15] =	ssyncadd.s32 $0xFFFFF000  }
0x1c: {  	[tilespmem:s30], [sflag:$0x5] =	stream.linear.gather @p0 [hbm4b:s10+s29], $0x1000, $0x38;
	[tilespmem:$0x5800] =	vst v63  }
0x1d: {  	s29 =	simm.s32 @p0 $0x5  }
0x1e: {  	_ =	swait.ge @p0 [sflag:s29], $0x1000  }
0x1f: {  	[sflag:s29] =	ssyncset.done @p0 $0x0  }
0x20: {  	s30 =	simm.s32 @!p0 $0x1000;
	[sflag:s29] =	ssyncadd.s32 @p0 $0xFFFFF000;
	s29 =	simm.s32 @!p0 $0x0  }
0x21: {  	[tilespmem:s30], [sflag:$0x5] =	stream.linear.gather @!p0 [hbm4b:s9+s29], $0xA00, $0x38;
	[tilespmem:$0x5800] =	vst v63  }
0x22: {  	s30 =	simm.s32 @!p0 $0x5  }
0x23: {  	_ =	swait.ge @!p0 [sflag:s30], $0xA00  }
0x24: {  	[sflag:s30] =	ssyncset.done @!p0 $0x0  }
0x25: {  	s31 =	simm.s32 @!p0 $0x1A00;
	[sflag:s30] =	ssyncadd.s32 @!p0 $0xFFFFF600  }
0x26: {  	[tilespmem:s31], [sflag:$0x5] =	stream.linear.gather @!p0 [hbm4b:s10+s29], $0x1000, $0x38;
	[tilespmem:$0x5800] =	vst v63  }
0x27: {  	_ =	swait.ge @!p0 [sflag:s30], $0x1000  }
0x28: {  	[sflag:s30] =	ssyncset.done @!p0 $0x0  }
0x29: {  	s31 =	simm.s32 @!p0 $0x2A00;
	[sflag:s30] =	ssyncadd.s32 @!p0 $0xFFFFF000  }
0x2a: {  	[tilespmem:s31], [sflag:$0x5] =	stream.linear.gather @!p0 [hbm4b:s11+s29], $0xA00, $0x38;
	[tilespmem:$0x5800] =	vst v63  }
0x2b: {  	_ =	swait.ge @!p0 [sflag:s30], $0xA00  }
0x2c: {  	[sflag:s30] =	ssyncset.done @!p0 $0x0  }
0x2d: {  	[sflag:s30] =	ssyncadd.s32 @!p0 $0xFFFFF600  }
0x2e: {  	[bflag:$0x0] =	sbarrier.arrive $0xFFFF  }
0x2f: {  	[tilespmem:s17], [sflag:$0x1] =	stream.indirect.gather [hbm4b:s4+s16], $0x8, s3, s16, $0xb8;
	[tilespmem:$0x5800] =	vst v63  }
0x30: {  	_ = 	snop  }
0x31: {  	[tilespmem:s18], [sflag:$0x2] =	stream.indirect.gather [hbm4b:s4+s16], $0x8, s16, s16, $0xb8;
	[tilespmem:$0x5800] =	vst v63  }
0x32: {  	s0 =	simm.s32 $0x100  }
0x33: {  	[tilespmem:s20], [sflag:$0x3] =	stream.indirect.gather [hbm4b:s4+s16], $0x8, s0, s16, $0xb8;
	[tilespmem:$0x5800] =	vst v63  }
0x34: {  	s29 =	simm.s32 $0x0;
	s30 =	simm.s32 $0x7  }
0x35: {  	[tilespmem:s22], [sflag:$0x4] =	stream.indirect.gather [hbm4b:s4+s16], $0x8, s21, s16, $0xb8;
	[tilespmem:$0x5800] =	vst v63  }
.LBB2_2:
0x36: {  	_ =	swait.ge [sflag:s23], $0x400  }
0x37: {  	s31 =	sshra.s32 s29, $0x2;
	[sflag:s23] =	ssyncset.done $0x0  }
0x38: {  	s19 =	sadd.s32 $0xFFFFFFFD, s30;
	s0 =	sadd.s32 $0x1A00, s31;
	[sflag:s23] =	ssyncadd.s32 $0xFFFFFC00  }
0x39: {  	[spmem:s2] =	stream.indirect.scatter.add.f32 [tilespmem:s17], [sflag:$0x5], $0x8, s0, s16, $0xb8;
	[tilespmem:$0x5800] =	vst v63  }
0x3a: {  	p1 =	sge.u32 s19, s5;
	_ =	swait.ge [sflag:s15], $0x400  }
0x3b: {  	s1 =	simm.s32 @!p1 $0x80;
	s0 =	sshra.s32 @!p1 s29, $0x2;
	[sflag:s15] =	ssyncset.done $0x0  }
0x3c: {  	s19 =	simm.s32 @!p1 $0x3400;
	s0 =	sadd.s32 @!p1 $0x200, s0;
	[sflag:s15] =	ssyncadd.s32 $0xFFFFFC00  }
0x3d: {  	[tilespmem:s19], [sflag:$0x1] =	stream.indirect.gather @!p1 [hbm4b:s4+s1], $0x8, s0, s1, $0xb8;
	[tilespmem:$0x5800] =	vst v63  }
0x3e: {  	_ =	swait.ge [sflag:s24], $0x400  }
0x3f: {  	[sflag:s24] =	ssyncset.done $0x0  }
0x40: {  	s1 =	sadd.s32 $0x1A80, s31;
	s19 =	sadd.s32 $0xFFFFFFFE, s30;
	[sflag:s24] =	ssyncadd.s32 $0xFFFFFC00  }
0x41: {  	[spmem:s2] =	stream.indirect.scatter.add.f32 [tilespmem:s18], [sflag:$0x5], $0x8, s1, s16, $0xb8;
	[tilespmem:$0x5800] =	vst v63  }
0x42: {  	p1 =	sge.u32 s19, s5;
	_ =	swait.ge [sflag:s15], $0x400  }
0x43: {  	s0 =	sshra.s32 @!p1 s29, $0x2;
	s19 =	simm.s32 @!p1 $0x3800;
	[sflag:s15] =	ssyncset.done $0x0  }
0x44: {  	s0 =	sadd.s32 @!p1 $0x280, s0;
	s1 =	simm.s32 @!p1 $0x80;
	[sflag:s15] =	ssyncadd.s32 $0xFFFFFC00  }
0x45: {  	[tilespmem:s19], [sflag:$0x2] =	stream.indirect.gather @!p1 [hbm4b:s4+s1], $0x8, s0, s1, $0xb8;
	[tilespmem:$0x5800] =	vst v63  }
0x46: {  	_ =	swait.ge [sflag:s25], $0x400  }
0x47: {  	[sflag:s25] =	ssyncset.done $0x0  }
0x48: {  	s1 =	sadd.s32 $0x1B00, s31;
	s19 =	sadd.s32 $0xFFFFFFFF, s30;
	[sflag:s25] =	ssyncadd.s32 $0xFFFFFC00  }
0x49: {  	[spmem:s2] =	stream.indirect.scatter.add.f32 [tilespmem:s20], [sflag:$0x5], $0x8, s1, s16, $0xb8;
	[tilespmem:$0x5800] =	vst v63  }
0x4a: {  	p1 =	sge.u32 s19, s5;
	_ =	swait.ge [sflag:s15], $0x400  }
0x4b: {  	s0 =	sshra.s32 @!p1 s29, $0x2;
	s19 =	simm.s32 @!p1 $0x3C00;
	[sflag:s15] =	ssyncset.done $0x0  }
0x4c: {  	s0 =	sadd.s32 @!p1 $0x300, s0;
	s1 =	simm.s32 @!p1 $0x80;
	[sflag:s15] =	ssyncadd.s32 $0xFFFFFC00  }
0x4d: {  	[tilespmem:s19], [sflag:$0x3] =	stream.indirect.gather @!p1 [hbm4b:s4+s1], $0x8, s0, s1, $0xb8;
	[tilespmem:$0x5800] =	vst v63  }
0x4e: {  	_ =	swait.ge [sflag:s26], $0x400  }
0x4f: {  	[sflag:s26] =	ssyncset.done $0x0  }
0x50: {  	s31 =	sadd.s32 $0x1B80, s31;
	p1 =	sge.u32 s30, s5;
	[sflag:s26] =	ssyncadd.s32 $0xFFFFFC00  }
0x51: {  	[spmem:s2] =	stream.indirect.scatter.add.f32 [tilespmem:s22], [sflag:$0x5], $0x8, s31, s16, $0xb8;
	[tilespmem:$0x5800] =	vst v63  }
0x52: {  	s0 =	sshra.s32 @!p1 s29, $0x2;
	s1 =	simm.s32 @!p1 $0x80;
	_ =	swait.ge [sflag:s15], $0x400  }
0x53: {  	s19 =	simm.s32 @!p1 $0x4000;
	s29 =	sadd.s32 $0x800, s29;
	[sflag:s15] =	ssyncset.done $0x0  }
0x54: {  	s0 =	sadd.s32 @!p1 $0x380, s0;
	s31 =	rddreg [dreg:$0x3];
	[sflag:s15] =	ssyncadd.s32 $0xFFFFFC00  }
0x55: {  	[tilespmem:s19], [sflag:$0x4] =	stream.indirect.gather @!p1 [hbm4b:s4+s1], $0x8, s0, s1, $0xb8;
	[tilespmem:$0x5800] =	vst v63  }
0x56: {  	p1 =	sne.s32 s31, s29  }
.Ltmp0:
0x57: {  	_ = 	snop;
	(pc) =	sbr.rel @p1 .LBB2_2-.Ltmp0, $2  }
0x58: {  	_ =	sdelay $0x2  }
0x59: {  	s30 =	sadd.s32 $0x4, s30  }
0x5a: {  	_ =	swait.ge [sflag:s23], $0x400  }
0x5b: {  	s0 =	sshra.s32 s29, $0x2;
	[sflag:s23] =	ssyncset.done $0x0  }
0x5c: {  	s31 =	sadd.s32 $0xFFFFFFFD, s30;
	s1 =	sadd.s32 $0x1A00, s0;
	[sflag:s23] =	ssyncadd.s32 $0xFFFFFC00  }
0x5d: {  	[spmem:s2] =	stream.indirect.scatter.add.f32 [tilespmem:s17], [sflag:$0x5], $0x8, s1, s16, $0xb8;
	[tilespmem:$0x5800] =	vst v63  }
0x5e: {  	p1 =	sge.u32 s31, s5;
	_ =	swait.ge [sflag:s15], $0x400  }
0x5f: {  	s19 =	simm.s32 @!p1 $0x80;
	s1 =	sshra.s32 @!p1 s29, $0x2;
	[sflag:s15] =	ssyncset.done $0x0  }
0x60: {  	s31 =	simm.s32 @!p1 $0x3400;
	s1 =	sadd.s32 @!p1 $0x200, s1;
	[sflag:s15] =	ssyncadd.s32 $0xFFFFFC00  }
0x61: {  	[tilespmem:s31], [sflag:$0x1] =	stream.indirect.gather @!p1 [hbm4b:s4+s19], $0x8, s1, s19, $0xb8;
	[tilespmem:$0x5800] =	vst v63  }
0x62: {  	_ =	swait.ge [sflag:s24], $0x400  }
0x63: {  	[sflag:s24] =	ssyncset.done $0x0  }
0x64: {  	s19 =	sadd.s32 $0x1A80, s0;
	s31 =	sadd.s32 $0xFFFFFFFE, s30;
	[sflag:s24] =	ssyncadd.s32 $0xFFFFFC00  }
0x65: {  	[spmem:s2] =	stream.indirect.scatter.add.f32 [tilespmem:s18], [sflag:$0x5], $0x8, s19, s16, $0xb8;
	[tilespmem:$0x5800] =	vst v63  }
0x66: {  	p1 =	sge.u32 s31, s5;
	_ =	swait.ge [sflag:s15], $0x400  }
0x67: {  	s1 =	sshra.s32 @!p1 s29, $0x2;
	s31 =	simm.s32 @!p1 $0x3800;
	[sflag:s15] =	ssyncset.done $0x0  }
0x68: {  	s1 =	sadd.s32 @!p1 $0x280, s1;
	s19 =	simm.s32 @!p1 $0x80;
	[sflag:s15] =	ssyncadd.s32 $0xFFFFFC00  }
0x69: {  	[tilespmem:s31], [sflag:$0x2] =	stream.indirect.gather @!p1 [hbm4b:s4+s19], $0x8, s1, s19, $0xb8;
	[tilespmem:$0x5800] =	vst v63  }
0x6a: {  	_ =	swait.ge [sflag:s25], $0x400  }
0x6b: {  	[sflag:s25] =	ssyncset.done $0x0  }
0x6c: {  	s19 =	sadd.s32 $0x1B00, s0;
	s31 =	sadd.s32 $0xFFFFFFFF, s30;
	[sflag:s25] =	ssyncadd.s32 $0xFFFFFC00  }
0x6d: {  	[spmem:s2] =	stream.indirect.scatter.add.f32 [tilespmem:s20], [sflag:$0x5], $0x8, s19, s16, $0xb8;
	[tilespmem:$0x5800] =	vst v63  }
0x6e: {  	p1 =	sge.u32 s31, s5;
	_ =	swait.ge [sflag:s15], $0x400  }
0x6f: {  	s1 =	sshra.s32 @!p1 s29, $0x2;
	s31 =	simm.s32 @!p1 $0x3C00;
	[sflag:s15] =	ssyncset.done $0x0  }
0x70: {  	s1 =	sadd.s32 @!p1 $0x300, s1;
	s19 =	simm.s32 @!p1 $0x80;
	[sflag:s15] =	ssyncadd.s32 $0xFFFFFC00  }
0x71: {  	[tilespmem:s31], [sflag:$0x3] =	stream.indirect.gather @!p1 [hbm4b:s4+s19], $0x8, s1, s19, $0xb8;
	[tilespmem:$0x5800] =	vst v63  }
0x72: {  	_ =	swait.ge [sflag:s26], $0x400  }
0x73: {  	[sflag:s26] =	ssyncset.done $0x0  }
0x74: {  	s0 =	sadd.s32 $0x1B80, s0;
	[sflag:s26] =	ssyncadd.s32 $0xFFFFFC00  }
0x75: {  	[spmem:s2] =	stream.indirect.scatter.add.f32 [tilespmem:s22], [sflag:$0x5], $0x8, s0, s16, $0xb8;
	[tilespmem:$0x5800] =	vst v63  }
0x76: {  	s28 =	sadd.s32 $0x1, s28;
	p1 =	sge.u32 s30, s5;
	_ =	swait.ge [sflag:s15], $0x400  }
0x77: {  	s1 =	simm.s32 @!p1 $0x80;
	s0 =	sshra.s32 @!p1 s29, $0x2;
	[sflag:s15] =	ssyncset.done $0x0  }
0x78: {  	s19 =	simm.s32 @!p1 $0x4000;
	s0 =	sadd.s32 @!p1 $0x380, s0;
	[sflag:s15] =	ssyncadd.s32 $0xFFFFFC00  }
0x79: {  	[tilespmem:s19], [sflag:$0x4] =	stream.indirect.gather @!p1 [hbm4b:s4+s1], $0x8, s0, s1, $0xb8;
	[tilespmem:$0x5800] =	vst v63  }
0x7a: {  	p1 =	sne.s32 s28, s13  }
.Ltmp1:
0x7b: {  	[bflag:$0x0] =	sbarrier.arrive $0xFFFF;
	(pc) =	sbr.rel @p1 .LBB2_1-.Ltmp1, $4  }
0x7c: {  	[hbm:s12], [sflag:s7] =	dma.local [spmem:s14], $0x280  }
0x7d: {  	_ =	swait.ge [sflag:s15], $0x280  }
0x7e: {  	[sflag:s15] =	ssyncset.done $0x0  }
0x7f: {  	[sflag:s15] =	ssyncadd.s32 $0xFFFFFD80  }
0x80: {  	_ =	sfence.sel $0x180000  }
0x81: {  	[bflag:$0x0] =	sbarrier.arrive $0xFFFF  }
0x82: {  	_ =	strace $0x9000004A  }
0x83: {  	s0 =	stileid.u32;
	[bflag:$0x2] =	sbarrier.arrive $0xFFFF  }
0x84: {  	p0 =	sne.s32 s0, $0x0;
	s0 =	rddreg [dreg:$0x2]  }
0x85: {  	s0 =	sadd.s32 @!p0 $0x100000, s0  }
0x86: {  	[sflag:s0] =	ssyncadd.tile.s32 @!p0 $0x1;
	_ =	shalt  }
.Lfunc_end2:
_tile_overlayer_lowered:
.L_overlay_start_2:
0x87: {  	(tag) =	ssettag $0x2  }
0x88: {  	s0 =	rddreg [dreg:$0x0];
	s2 =	stileid.u32  }
0x89: {  	s1 =	rddreg [dreg:$0x1];
	p0 =	sne.s32 s2, $0x0  }
0x8a: {  	s3 =	rddreg [dreg:$0x2];
	[bflag:$0x3] =	sbarrier.arrive $0xFFFF;
	s2 =	simm.s32 @!p0 $0x1C05  }
0x8b: {  	[timem:s3], [sflag:s2] =	dma.local @!p0 [hbm:s0], s1  }
0x8c: {  	s0 =	simm.s32 @!p0 $0x5  }
0x8d: {  	_ =	swait.ge @!p0 [sflag:s0], s1  }
0x8e: {  	s1 =	ssub.s32 @!p0 $0x0, s1;
	[sflag:s0] =	ssyncset.done @!p0 $0x0  }
0x8f: {  	[sflag:s0] =	ssyncadd.s32 @!p0 s1  }
0x90: {  	[bflag:$0x3] =	sbarrier.arrive $0xFFFF  }
0x91: {  	_ =	shalt  }

</sc_bundles>
